<compile_context>
chip_gen: v7x
topology: tpu7x:2x2x1
jax: 0.10.2.dev20260603
libtpu: 0.0.44.dev20260713+nightly
codegen_flags: <defaults>
</compile_context>

<pallas_src>
import jax
import jax.numpy as jnp
from jax import lax
from jax.experimental import pallas as pl
from jax.experimental.pallas import tpu as pltpu
from jax.experimental.pallas import tpu_sc as plsc

_VOCAB = 1000000
_MAXLEN = 200
_DIM = 64
_BATCH = 4096

_NC, _NS = 2, 16
_NW = _NC * _NS
_BPW = _BATCH // _NW

_TBLK = 2048
_TGRID = 245
_THALF = _TGRID * _TBLK
_TROWS = 2 * _THALF


def _tbody(a_ref, b_ref, out_ref):
    cat = jnp.concatenate([a_ref[...], b_ref[...]], axis=0)
    eye = jnp.eye(2 * _DIM, dtype=jnp.float32)
    out_ref[...] = lax.dot_general(cat, eye, (((0,), (0,)), ((), ())),
                                   preferred_element_type=jnp.float32)


def _tc_transpose(tt_cm):
    return pl.pallas_call(
        _tbody,
        out_shape=jax.ShapeDtypeStruct((_THALF, 2 * _DIM), jnp.float32),
        grid=(_TGRID,),
        in_specs=[pl.BlockSpec((_DIM, _TBLK), lambda g: (0, g)),
                  pl.BlockSpec((_DIM, _TBLK),
                               lambda g: (0, jnp.minimum(g + _TGRID,
                                                         _VOCAB // _TBLK)))],
        out_specs=pl.BlockSpec((_TBLK, 2 * _DIM), lambda g: (g, 0)),
    )(tt_cm, tt_cm)


def _body(xt_hbm, tok_hbm, pos_hbm, q_hbm,
          xv, pos_v, r0, r1, o0, o1, g0, g1, w0, w1):
    wid = lax.axis_index("s") * _NC + lax.axis_index("c")
    b0 = wid * _BPW
    rows = (r0, r1)
    outs = (o0, o1)
    gsems = (g0, g1)
    wsems = (w0, w1)

    pltpu.sync_copy(xt_hbm.at[:, pl.ds(b0, _BPW)], xv)
    pltpu.sync_copy(pos_hbm, pos_v)

    def remap_row(s2, carry):
        for kk in range(_BPW // 16):
            d = pl.ds(kk * 16, 16)
            v = xv[s2, d]
            h = (v >= _THALF).astype(jnp.int32)
            xv[s2, d] = ((v - _THALF * h) << 1) | h
        return carry

    lax.fori_loop(0, _MAXLEN, remap_row, 0)

    def issue_gather(s, b):
        pltpu.async_copy(tok_hbm.at[xv.at[s]], rows[b], gsems[b])

    def wait_gather(s, b):
        pltpu.make_async_copy(tok_hbm.at[xv.at[s]], rows[b], gsems[b]).wait()

    def issue_write(s, b):
        pltpu.async_copy(outs[b], q_hbm.at[s, :, wid, :, :], wsems[b])

    def wait_write(s, b):
        pltpu.make_async_copy(outs[b], q_hbm.at[s, :, wid, :, :],
                              wsems[b]).wait()

    lane = lax.iota(jnp.int32, 16)
    issue_gather(0, 0)

    def s_body(s, carry):
        for b in range(2):
            sb = s * 2 + b
            pl.when(sb + 1 < _MAXLEN)(lambda: issue_gather(sb + 1, 1 - b))
            wait_gather(sb, b)
            pl.when(sb >= 2)(lambda: wait_write(sb - 2, b))

            pvs = [pos_v[sb, pl.ds(k * 16, 16)] for k in range(_DIM // 16)]
            cols = [16 * k + lane for k in range(_DIM // 16)]
            i0s = [(16 * k + lane) >> 3 for k in range(_DIM // 16)]
            i1 = lane & 7

            def j_body(j, c2):
                rowmix = (lane + j) & 15
                trows = [rowmix + 16 * g for g in range(_BPW // 16)]
                for ks in ((0, 1), (2, 3)):
                    vals = []
                    for g in range(_BPW // 16):
                        for k in ks:
                            vals.append(
                                (g, k,
                                 plsc.load_gather(rows[b],
                                                  [trows[g], cols[k]])
                                 + pvs[k]))
                    for g, k, v in vals:
                        plsc.store_scatter(outs[b], [i0s[k], i1, trows[g]], v)
                return c2

            lax.fori_loop(0, 16, j_body, 0)
            issue_write(sb, b)
        return carry

    lax.fori_loop(0, _MAXLEN // 2, s_body, 0)
    wait_write(_MAXLEN - 2, 0)
    wait_write(_MAXLEN - 1, 1)


@jax.jit
def _embed(xt, tt_sc, pos_table):
    mesh = plsc.VectorSubcoreMesh(core_axis_name="c", subcore_axis_name="s")
    run = pl.kernel(
        _body,
        out_type=jax.ShapeDtypeStruct(
            (_MAXLEN, _DIM // 8, _NW, 8, _BPW), jnp.float32),
        mesh=mesh,
        scratch_types=(
            [pltpu.VMEM((_MAXLEN, _BPW), jnp.int32),
             pltpu.VMEM((_MAXLEN, _DIM), jnp.float32)]
            + [pltpu.VMEM((_BPW, _DIM), jnp.float32)] * 2
            + [pltpu.VMEM((_DIM // 8, 8, _BPW), jnp.float32)] * 2
            + [pltpu.SemaphoreType.DMA] * 4
        ),
        compiler_params=pltpu.CompilerParams(
            use_tc_tiling_on_sc=False, needs_layout_passes=False),
    )
    return run(xt, tt_sc, pos_table)


def kernel(x, token_table, pos_table):
    xt = x.T.astype(jnp.int32)
    tt3 = _tc_transpose(token_table.T)
    tt_sc = tt3.reshape(_TROWS, _DIM)
    q = _embed(xt, tt_sc, pos_table)
    return q.transpose(2, 4, 0, 1, 3).reshape(_BATCH, _MAXLEN, _DIM)

# --- scband reference (transcript-rebuilt; emitter-appended) ---
"""Pipeline reference for scband-token-and-position-embedding-5660766896742 (READ-ONLY COPY).

The authoritative reference and input builder live on the scoring server;
editing this copy changes nothing except your own understanding.
"""

import jax, jax.numpy as jnp
import numpy as np

VOCAB_SIZE = 1000000
MAXLEN = 200
EMBED_DIM = 64
BATCH = 4096


def setup_inputs(seed: int = 0) -> dict:
    key = jax.random.key(seed)
    k1, k2, k3 = jax.random.split(key, 3)
    x = jax.random.randint(k1, (BATCH, MAXLEN), 0, VOCAB_SIZE, dtype=jnp.int64 if jax.config.jax_enable_x64 else jnp.int32)
    token_table = jax.random.normal(k2, (VOCAB_SIZE, EMBED_DIM), dtype=jnp.float32) * 0.05
    pos_table = jax.random.normal(k3, (MAXLEN, EMBED_DIM), dtype=jnp.float32) * 0.05
    return {"x": x, "token_table": token_table, "pos_table": pos_table}


def reference(x, token_table, pos_table):
    seqlen = x.shape[-1]
    positions = jnp.arange(seqlen)
    pos_emb = jnp.take(pos_table, positions, axis=0)  # [seqlen, embed_dim]
    tok_emb = jnp.take(token_table, x, axis=0)        # [batch, seqlen, embed_dim]
    return tok_emb + pos_emb[None, :, :]

if __name__ == "__main__":
    import jax
    _d = setup_inputs()
    print(jax.jit(kernel)(*tuple(_d.values())))

</pallas_src>

<mosaic_0001>
#map = affine_map<(d0, d1) -> (0, 0)>
#map1 = affine_map<(d0, d1) -> (0, 0, 0, 0, 0)>
module attributes {stable_mosaic.version = 14 : i64} {
  func.func @_body(%arg0: i32, %arg1: i32, %arg2: memref<200x4096xi32, #tpu.memory_space<hbm>>, %arg3: memref<1003520x64xf32, #tpu.memory_space<hbm>>, %arg4: memref<200x64xf32, #tpu.memory_space<hbm>>, %arg5: memref<200x8x32x8x128xf32, #tpu.memory_space<hbm>>, %arg6: memref<200x128xi32, #tpu.memory_space<vmem>>, %arg7: memref<200x64xf32, #tpu.memory_space<vmem>>, %arg8: memref<128x64xf32, #tpu.memory_space<vmem>>, %arg9: memref<128x64xf32, #tpu.memory_space<vmem>>, %arg10: memref<8x8x128xf32, #tpu.memory_space<vmem>>, %arg11: memref<8x8x128xf32, #tpu.memory_space<vmem>>, %arg12: memref<!tpu.dma_semaphore, #tpu.memory_space<semaphore_mem>>, %arg13: memref<!tpu.dma_semaphore, #tpu.memory_space<semaphore_mem>>, %arg14: memref<!tpu.dma_semaphore, #tpu.memory_space<semaphore_mem>>, %arg15: memref<!tpu.dma_semaphore, #tpu.memory_space<semaphore_mem>>) attributes {dimension_semantics = [#tpu.dimension_semantics<core_parallel>, #tpu.dimension_semantics<subcore_parallel>], iteration_bounds = array<i64: 2, 16>, scalar_prefetch = 0 : i64, scratch_operands = 10 : i64, tpu.core_type = #tpu.core_type<sc_vector_subcore>, window_params = [{transform_indices = #map}, {transform_indices = #map}, {transform_indices = #map}, {transform_indices = #map1}]} {
    %mul3A = arith.constant 2 : i32
    %mul3A_0 = arith.muli %arg1, %mul3A : i32
    %add3A = arith.addi %mul3A_0, %arg0 : i32
    %mul3A_1 = arith.constant 128 : i32
    %mul3A_2 = arith.muli %add3A, %mul3A_1 : i32
    "tpu.region"() ({
      %run_scoped3A = tpu.sem_alloc : memref<!tpu.dma_semaphore, #tpu.memory_space<semaphore_mem>>
      %dma_start3A_41 = arith.constant 0 : i32
      %dma_start3A_42 = tpu.memref_slice %arg2[%dma_start3A_41, %mul3A_2] : memref<200x4096xi32, #tpu.memory_space<hbm>> -> memref<200x128xi32, #tpu.memory_space<hbm>>
      %dma_start3A_43 = arith.constant 0 : i32
      %dma_start3A_44 = tpu.memref_slice %arg2[%dma_start3A_43, %mul3A_2] : memref<200x4096xi32, #tpu.memory_space<hbm>> -> memref<200x128xi32, #tpu.memory_space<hbm>>
      tpu.enqueue_dma source(%dma_start3A_44 : memref<200x128xi32, #tpu.memory_space<hbm>>) target(%arg6 : memref<200x128xi32, #tpu.memory_space<vmem>>) target_semaphore(%run_scoped3A : memref<!tpu.dma_semaphore, #tpu.memory_space<semaphore_mem>>)
      %dma_wait3A_45 = arith.constant 0 : i32
      %dma_wait3A_46 = tpu.memref_slice %arg2[%dma_wait3A_45, %mul3A_2] : memref<200x4096xi32, #tpu.memory_space<hbm>> -> memref<200x128xi32, #tpu.memory_space<hbm>>
      %dma_wait3A_47 = arith.constant 0 : i32
      %dma_wait3A_48 = tpu.memref_slice %arg2[%dma_wait3A_47, %mul3A_2] : memref<200x4096xi32, #tpu.memory_space<hbm>> -> memref<200x128xi32, #tpu.memory_space<hbm>>
      tpu.wait_dma2 semaphore(%run_scoped3A : memref<!tpu.dma_semaphore, #tpu.memory_space<semaphore_mem>>) src(%dma_wait3A_48 : memref<200x128xi32, #tpu.memory_space<hbm>>) dst(%arg6 : memref<200x128xi32, #tpu.memory_space<vmem>>)
      tpu.yield
    }) : () -> ()
    "tpu.region"() ({
      %run_scoped3A = tpu.sem_alloc : memref<!tpu.dma_semaphore, #tpu.memory_space<semaphore_mem>>
      tpu.enqueue_dma source(%arg4 : memref<200x64xf32, #tpu.memory_space<hbm>>) target(%arg7 : memref<200x64xf32, #tpu.memory_space<vmem>>) target_semaphore(%run_scoped3A : memref<!tpu.dma_semaphore, #tpu.memory_space<semaphore_mem>>)
      tpu.wait_dma2 semaphore(%run_scoped3A : memref<!tpu.dma_semaphore, #tpu.memory_space<semaphore_mem>>) src(%arg4 : memref<200x64xf32, #tpu.memory_space<hbm>>) dst(%arg7 : memref<200x64xf32, #tpu.memory_space<vmem>>)
      tpu.yield
    }) : () -> ()
    %scan3A = arith.constant 0 : i32
    %scan3A_3 = arith.constant 0 : i32
    %scan3A_4 = arith.constant 200 : i32
    %scan3A_5 = arith.addi %scan3A_3, %scan3A_4 : i32
    %scan3A_6 = arith.constant 1 : i32
    scf.for %scan3A_41 = %scan3A_3 to %scan3A_5 step %scan3A_6  : i32 {
      %get3A = arith.index_cast %scan3A_41 : i32 to index
      %get3A_42 = arith.constant 0 : index
      %get3A_43 = tpu.vector_load %arg6[%get3A, %get3A_42] {strides = array<i32>} : memref<200x128xi32, #tpu.memory_space<vmem>>, vector<16xi32>,
      %ge3A = arith.constant 501760 : i32
      %ge3A_44 = vector.broadcast %ge3A : i32 to vector<16xi32>
      %ge3A_45 = arith.cmpi sge, %get3A_43, %ge3A_44 : vector<16xi32>
      %convert_element_type3A = arith.extui %ge3A_45 : vector<16xi1> to vector<16xi32>
      %mul3A_46 = arith.constant 501760 : i32
      %mul3A_47 = vector.broadcast %mul3A_46 : i32 to vector<16xi32>
      %mul3A_48 = arith.muli %mul3A_47, %convert_element_type3A : vector<16xi32>
      %sub3A = arith.subi %get3A_43, %mul3A_48 : vector<16xi32>
      %shift_left3A = arith.constant 1 : i32
      %shift_left3A_49 = vector.broadcast %shift_left3A : i32 to vector<16xi32>
      %shift_left3A_50 = arith.shli %sub3A, %shift_left3A_49 : vector<16xi32>
      %or3A = arith.ori %shift_left3A_50, %convert_element_type3A : vector<16xi32>
      %swap3A = arith.index_cast %scan3A_41 : i32 to index
      %swap3A_51 = arith.constant 0 : index
      %swap3A_52 = tpu.vector_load %arg6[%swap3A, %swap3A_51] {strides = array<i32>} : memref<200x128xi32, #tpu.memory_space<vmem>>, vector<16xi32>,
      tpu.vector_store %arg6[%swap3A, %swap3A_51], %or3A {strides = array<i32>} : memref<200x128xi32, #tpu.memory_space<vmem>>, vector<16xi32>,
      %get3A_53 = arith.index_cast %scan3A_41 : i32 to index
      %get3A_54 = arith.constant 16 : index
      %get3A_55 = tpu.vector_load %arg6[%get3A_53, %get3A_54] {strides = array<i32>} : memref<200x128xi32, #tpu.memory_space<vmem>>, vector<16xi32>,
      %ge3A_56 = arith.constant 501760 : i32
      %ge3A_57 = vector.broadcast %ge3A_56 : i32 to vector<16xi32>
      %ge3A_58 = arith.cmpi sge, %get3A_55, %ge3A_57 : vector<16xi32>
      %convert_element_type3A_59 = arith.extui %ge3A_58 : vector<16xi1> to vector<16xi32>
      %mul3A_60 = arith.constant 501760 : i32
      %mul3A_61 = vector.broadcast %mul3A_60 : i32 to vector<16xi32>
      %mul3A_62 = arith.muli %mul3A_61, %convert_element_type3A_59 : vector<16xi32>
      %sub3A_63 = arith.subi %get3A_55, %mul3A_62 : vector<16xi32>
      %shift_left3A_64 = arith.constant 1 : i32
      %shift_left3A_65 = vector.broadcast %shift_left3A_64 : i32 to vector<16xi32>
      %shift_left3A_66 = arith.shli %sub3A_63, %shift_left3A_65 : vector<16xi32>
      %or3A_67 = arith.ori %shift_left3A_66, %convert_element_type3A_59 : vector<16xi32>
      %swap3A_68 = arith.index_cast %scan3A_41 : i32 to index
      %swap3A_69 = arith.constant 16 : index
      %swap3A_70 = tpu.vector_load %arg6[%swap3A_68, %swap3A_69] {strides = array<i32>} : memref<200x128xi32, #tpu.memory_space<vmem>>, vector<16xi32>,
      tpu.vector_store %arg6[%swap3A_68, %swap3A_69], %or3A_67 {strides = array<i32>} : memref<200x128xi32, #tpu.memory_space<vmem>>, vector<16xi32>,
      %get3A_71 = arith.index_cast %scan3A_41 : i32 to index
      %get3A_72 = arith.constant 32 : index
      %get3A_73 = tpu.vector_load %arg6[%get3A_71, %get3A_72] {strides = array<i32>} : memref<200x128xi32, #tpu.memory_space<vmem>>, vector<16xi32>,
      %ge3A_74 = arith.constant 501760 : i32
      %ge3A_75 = vector.broadcast %ge3A_74 : i32 to vector<16xi32>
      %ge3A_76 = arith.cmpi sge, %get3A_73, %ge3A_75 : vector<16xi32>
      %convert_element_type3A_77 = arith.extui %ge3A_76 : vector<16xi1> to vector<16xi32>
      %mul3A_78 = arith.constant 501760 : i32
      %mul3A_79 = vector.broadcast %mul3A_78 : i32 to vector<16xi32>
      %mul3A_80 = arith.muli %mul3A_79, %convert_element_type3A_77 : vector<16xi32>
      %sub3A_81 = arith.subi %get3A_73, %mul3A_80 : vector<16xi32>
      %shift_left3A_82 = arith.constant 1 : i32
      %shift_left3A_83 = vector.broadcast %shift_left3A_82 : i32 to vector<16xi32>
      %shift_left3A_84 = arith.shli %sub3A_81, %shift_left3A_83 : vector<16xi32>
      %or3A_85 = arith.ori %shift_left3A_84, %convert_element_type3A_77 : vector<16xi32>
      %swap3A_86 = arith.index_cast %scan3A_41 : i32 to index
      %swap3A_87 = arith.constant 32 : index
      %swap3A_88 = tpu.vector_load %arg6[%swap3A_86, %swap3A_87] {strides = array<i32>} : memref<200x128xi32, #tpu.memory_space<vmem>>, vector<16xi32>,
      tpu.vector_store %arg6[%swap3A_86, %swap3A_87], %or3A_85 {strides = array<i32>} : memref<200x128xi32, #tpu.memory_space<vmem>>, vector<16xi32>,
      %get3A_89 = arith.index_cast %scan3A_41 : i32 to index
      %get3A_90 = arith.constant 48 : index
      %get3A_91 = tpu.vector_load %arg6[%get3A_89, %get3A_90] {strides = array<i32>} : memref<200x128xi32, #tpu.memory_space<vmem>>, vector<16xi32>,
      %ge3A_92 = arith.constant 501760 : i32
      %ge3A_93 = vector.broadcast %ge3A_92 : i32 to vector<16xi32>
      %ge3A_94 = arith.cmpi sge, %get3A_91, %ge3A_93 : vector<16xi32>
      %convert_element_type3A_95 = arith.extui %ge3A_94 : vector<16xi1> to vector<16xi32>
      %mul3A_96 = arith.constant 501760 : i32
      %mul3A_97 = vector.broadcast %mul3A_96 : i32 to vector<16xi32>
      %mul3A_98 = arith.muli %mul3A_97, %convert_element_type3A_95 : vector<16xi32>
      %sub3A_99 = arith.subi %get3A_91, %mul3A_98 : vector<16xi32>
      %shift_left3A_100 = arith.constant 1 : i32
      %shift_left3A_101 = vector.broadcast %shift_left3A_100 : i32 to vector<16xi32>
      %shift_left3A_102 = arith.shli %sub3A_99, %shift_left3A_101 : vector<16xi32>
      %or3A_103 = arith.ori %shift_left3A_102, %convert_element_type3A_95 : vector<16xi32>
      %swap3A_104 = arith.index_cast %scan3A_41 : i32 to index
      %swap3A_105 = arith.constant 48 : index
      %swap3A_106 = tpu.vector_load %arg6[%swap3A_104, %swap3A_105] {strides = array<i32>} : memref<200x128xi32, #tpu.memory_space<vmem>>, vector<16xi32>,
      tpu.vector_store %arg6[%swap3A_104, %swap3A_105], %or3A_103 {strides = array<i32>} : memref<200x128xi32, #tpu.memory_space<vmem>>, vector<16xi32>,
      %get3A_107 = arith.index_cast %scan3A_41 : i32 to index
      %get3A_108 = arith.constant 64 : index
      %get3A_109 = tpu.vector_load %arg6[%get3A_107, %get3A_108] {strides = array<i32>} : memref<200x128xi32, #tpu.memory_space<vmem>>, vector<16xi32>,
      %ge3A_110 = arith.constant 501760 : i32
      %ge3A_111 = vector.broadcast %ge3A_110 : i32 to vector<16xi32>
      %ge3A_112 = arith.cmpi sge, %get3A_109, %ge3A_111 : vector<16xi32>
      %convert_element_type3A_113 = arith.extui %ge3A_112 : vector<16xi1> to vector<16xi32>
      %mul3A_114 = arith.constant 501760 : i32
      %mul3A_115 = vector.broadcast %mul3A_114 : i32 to vector<16xi32>
      %mul3A_116 = arith.muli %mul3A_115, %convert_element_type3A_113 : vector<16xi32>
      %sub3A_117 = arith.subi %get3A_109, %mul3A_116 : vector<16xi32>
      %shift_left3A_118 = arith.constant 1 : i32
      %shift_left3A_119 = vector.broadcast %shift_left3A_118 : i32 to vector<16xi32>
      %shift_left3A_120 = arith.shli %sub3A_117, %shift_left3A_119 : vector<16xi32>
      %or3A_121 = arith.ori %shift_left3A_120, %convert_element_type3A_113 : vector<16xi32>
      %swap3A_122 = arith.index_cast %scan3A_41 : i32 to index
      %swap3A_123 = arith.constant 64 : index
      %swap3A_124 = tpu.vector_load %arg6[%swap3A_122, %swap3A_123] {strides = array<i32>} : memref<200x128xi32, #tpu.memory_space<vmem>>, vector<16xi32>,
      tpu.vector_store %arg6[%swap3A_122, %swap3A_123], %or3A_121 {strides = array<i32>} : memref<200x128xi32, #tpu.memory_space<vmem>>, vector<16xi32>,
      %get3A_125 = arith.index_cast %scan3A_41 : i32 to index
      %get3A_126 = arith.constant 80 : index
      %get3A_127 = tpu.vector_load %arg6[%get3A_125, %get3A_126] {strides = array<i32>} : memref<200x128xi32, #tpu.memory_space<vmem>>, vector<16xi32>,
      %ge3A_128 = arith.constant 501760 : i32
      %ge3A_129 = vector.broadcast %ge3A_128 : i32 to vector<16xi32>
      %ge3A_130 = arith.cmpi sge, %get3A_127, %ge3A_129 : vector<16xi32>
      %convert_element_type3A_131 = arith.extui %ge3A_130 : vector<16xi1> to vector<16xi32>
      %mul3A_132 = arith.constant 501760 : i32
      %mul3A_133 = vector.broadcast %mul3A_132 : i32 to vector<16xi32>
      %mul3A_134 = arith.muli %mul3A_133, %convert_element_type3A_131 : vector<16xi32>
      %sub3A_135 = arith.subi %get3A_127, %mul3A_134 : vector<16xi32>
      %shift_left3A_136 = arith.constant 1 : i32
      %shift_left3A_137 = vector.broadcast %shift_left3A_136 : i32 to vector<16xi32>
      %shift_left3A_138 = arith.shli %sub3A_135, %shift_left3A_137 : vector<16xi32>
      %or3A_139 = arith.ori %shift_left3A_138, %convert_element_type3A_131 : vector<16xi32>
      %swap3A_140 = arith.index_cast %scan3A_41 : i32 to index
      %swap3A_141 = arith.constant 80 : index
      %swap3A_142 = tpu.vector_load %arg6[%swap3A_140, %swap3A_141] {strides = array<i32>} : memref<200x128xi32, #tpu.memory_space<vmem>>, vector<16xi32>,
      tpu.vector_store %arg6[%swap3A_140, %swap3A_141], %or3A_139 {strides = array<i32>} : memref<200x128xi32, #tpu.memory_space<vmem>>, vector<16xi32>,
      %get3A_143 = arith.index_cast %scan3A_41 : i32 to index
      %get3A_144 = arith.constant 96 : index
      %get3A_145 = tpu.vector_load %arg6[%get3A_143, %get3A_144] {strides = array<i32>} : memref<200x128xi32, #tpu.memory_space<vmem>>, vector<16xi32>,
      %ge3A_146 = arith.constant 501760 : i32
      %ge3A_147 = vector.broadcast %ge3A_146 : i32 to vector<16xi32>
      %ge3A_148 = arith.cmpi sge, %get3A_145, %ge3A_147 : vector<16xi32>
      %convert_element_type3A_149 = arith.extui %ge3A_148 : vector<16xi1> to vector<16xi32>
      %mul3A_150 = arith.constant 501760 : i32
      %mul3A_151 = vector.broadcast %mul3A_150 : i32 to vector<16xi32>
      %mul3A_152 = arith.muli %mul3A_151, %convert_element_type3A_149 : vector<16xi32>
      %sub3A_153 = arith.subi %get3A_145, %mul3A_152 : vector<16xi32>
      %shift_left3A_154 = arith.constant 1 : i32
      %shift_left3A_155 = vector.broadcast %shift_left3A_154 : i32 to vector<16xi32>
      %shift_left3A_156 = arith.shli %sub3A_153, %shift_left3A_155 : vector<16xi32>
      %or3A_157 = arith.ori %shift_left3A_156, %convert_element_type3A_149 : vector<16xi32>
      %swap3A_158 = arith.index_cast %scan3A_41 : i32 to index
      %swap3A_159 = arith.constant 96 : index
      %swap3A_160 = tpu.vector_load %arg6[%swap3A_158, %swap3A_159] {strides = array<i32>} : memref<200x128xi32, #tpu.memory_space<vmem>>, vector<16xi32>,
      tpu.vector_store %arg6[%swap3A_158, %swap3A_159], %or3A_157 {strides = array<i32>} : memref<200x128xi32, #tpu.memory_space<vmem>>, vector<16xi32>,
      %get3A_161 = arith.index_cast %scan3A_41 : i32 to index
      %get3A_162 = arith.constant 112 : index
      %get3A_163 = tpu.vector_load %arg6[%get3A_161, %get3A_162] {strides = array<i32>} : memref<200x128xi32, #tpu.memory_space<vmem>>, vector<16xi32>,
      %ge3A_164 = arith.constant 501760 : i32
      %ge3A_165 = vector.broadcast %ge3A_164 : i32 to vector<16xi32>
      %ge3A_166 = arith.cmpi sge, %get3A_163, %ge3A_165 : vector<16xi32>
      %convert_element_type3A_167 = arith.extui %ge3A_166 : vector<16xi1> to vector<16xi32>
      %mul3A_168 = arith.constant 501760 : i32
      %mul3A_169 = vector.broadcast %mul3A_168 : i32 to vector<16xi32>
      %mul3A_170 = arith.muli %mul3A_169, %convert_element_type3A_167 : vector<16xi32>
      %sub3A_171 = arith.subi %get3A_163, %mul3A_170 : vector<16xi32>
      %shift_left3A_172 = arith.constant 1 : i32
      %shift_left3A_173 = vector.broadcast %shift_left3A_172 : i32 to vector<16xi32>
      %shift_left3A_174 = arith.shli %sub3A_171, %shift_left3A_173 : vector<16xi32>
      %or3A_175 = arith.ori %shift_left3A_174, %convert_element_type3A_167 : vector<16xi32>
      %swap3A_176 = arith.index_cast %scan3A_41 : i32 to index
      %swap3A_177 = arith.constant 112 : index
      %swap3A_178 = tpu.vector_load %arg6[%swap3A_176, %swap3A_177] {strides = array<i32>} : memref<200x128xi32, #tpu.memory_space<vmem>>, vector<16xi32>,
      tpu.vector_store %arg6[%swap3A_176, %swap3A_177], %or3A_175 {strides = array<i32>} : memref<200x128xi32, #tpu.memory_space<vmem>>, vector<16xi32>,
    }
    %scan3A_7 = arith.constant 200 : i32
    %iota3A = tpu.iota {dimensions = array<i32: 0>} : vector<16xi32>
    %dma_start3A = arith.constant 0 : i32
    %dma_start3A_8 = arith.constant 0 : i32
    %dma_start3A_9 = tpu.memref_slice %arg6[%dma_start3A, %dma_start3A_8] : memref<200x128xi32, #tpu.memory_space<vmem>> -> memref<1x128xi32, #tpu.memory_space<vmem>>
    %dma_start3A_10 = tpu.memref_squeeze %dma_start3A_9 : memref<1x128xi32, #tpu.memory_space<vmem>> -> memref<128xi32, #tpu.memory_space<vmem>>
    %dma_start3A_11 = arith.constant 0 : i32
    %dma_start3A_12 = arith.constant 0 : i32
    %dma_start3A_13 = tpu.memref_slice %arg3[%dma_start3A_11, %dma_start3A_12] : memref<1003520x64xf32, #tpu.memory_space<hbm>> -> memref<1003520x64xf32, #tpu.memory_space<hbm>>
    tpu.enqueue_indirect_dma source(%dma_start3A_13 : memref<1003520x64xf32, #tpu.memory_space<hbm>>) target(%arg8 : memref<128x64xf32, #tpu.memory_space<vmem>>) offsets(%dma_start3A_10 : memref<128xi32, #tpu.memory_space<vmem>>) semaphore(%arg12 : memref<!tpu.dma_semaphore, #tpu.memory_space<semaphore_mem>>)
    %scan3A_14 = arith.constant 0 : i32
    %scan3A_15 = arith.constant 0 : i32
    %scan3A_16 = arith.constant 100 : i32
    %scan3A_17 = arith.addi %scan3A_15, %scan3A_16 : i32
    %scan3A_18 = arith.constant 1 : i32
    scf.for %scan3A_41 = %scan3A_15 to %scan3A_17 step %scan3A_18  : i32 {
      %mul3A_42 = arith.constant 2 : i32
      %mul3A_43 = arith.muli %scan3A_41, %mul3A_42 : i32
      %add3A_44 = arith.constant 0 : i32
      %add3A_45 = arith.addi %mul3A_43, %add3A_44 : i32
      %add3A_46 = arith.constant 1 : i32
      %add3A_47 = arith.addi %add3A_45, %add3A_46 : i32
      %lt3A = arith.constant 200 : i32
      %lt3A_48 = arith.cmpi slt, %add3A_47, %lt3A : i32
      %convert_element_type3A = arith.extui %lt3A_48 : i1 to i32
      %cond3A = arith.constant 0 : i32
      %cond3A_49 = arith.cmpi ne, %convert_element_type3A, %cond3A : i32
      scf.if %cond3A_49 {
        %add3A_213 = arith.constant 1 : i32
        %add3A_214 = arith.addi %add3A_45, %add3A_213 : i32
        %dma_start3A_215 = arith.constant 0 : i32
        %dma_start3A_216 = tpu.memref_slice %arg6[%add3A_214, %dma_start3A_215] : memref<200x128xi32, #tpu.memory_space<vmem>> -> memref<1x128xi32, #tpu.memory_space<vmem>>
        %dma_start3A_217 = tpu.memref_squeeze %dma_start3A_216 : memref<1x128xi32, #tpu.memory_space<vmem>> -> memref<128xi32, #tpu.memory_space<vmem>>
        %dma_start3A_218 = arith.constant 0 : i32
        %dma_start3A_219 = arith.constant 0 : i32
        %dma_start3A_220 = tpu.memref_slice %arg3[%dma_start3A_218, %dma_start3A_219] : memref<1003520x64xf32, #tpu.memory_space<hbm>> -> memref<1003520x64xf32, #tpu.memory_space<hbm>>
        tpu.enqueue_indirect_dma source(%dma_start3A_220 : memref<1003520x64xf32, #tpu.memory_space<hbm>>) target(%arg9 : memref<128x64xf32, #tpu.memory_space<vmem>>) offsets(%dma_start3A_217 : memref<128xi32, #tpu.memory_space<vmem>>) semaphore(%arg13 : memref<!tpu.dma_semaphore, #tpu.memory_space<semaphore_mem>>)
      } else {
      }
      %dma_wait3A_50 = arith.constant 0 : i32
      %dma_wait3A_51 = tpu.memref_slice %arg6[%add3A_45, %dma_wait3A_50] : memref<200x128xi32, #tpu.memory_space<vmem>> -> memref<1x128xi32, #tpu.memory_space<vmem>>
      %dma_wait3A_52 = tpu.memref_squeeze %dma_wait3A_51 : memref<1x128xi32, #tpu.memory_space<vmem>> -> memref<128xi32, #tpu.memory_space<vmem>>
      %dma_wait3A_53 = arith.constant 0 : i32
      %dma_wait3A_54 = arith.constant 0 : i32
      %dma_wait3A_55 = tpu.memref_slice %arg3[%dma_wait3A_53, %dma_wait3A_54] : memref<1003520x64xf32, #tpu.memory_space<hbm>> -> memref<1003520x64xf32, #tpu.memory_space<hbm>>
      tpu.wait_indirect_dma semaphore(%arg12 : memref<!tpu.dma_semaphore, #tpu.memory_space<semaphore_mem>>) src(%dma_wait3A_55 : memref<1003520x64xf32, #tpu.memory_space<hbm>>) dst(%arg8 : memref<128x64xf32, #tpu.memory_space<vmem>>)
      %ge3A = arith.constant 2 : i32
      %ge3A_56 = arith.cmpi sge, %add3A_45, %ge3A : i32
      %convert_element_type3A_57 = arith.extui %ge3A_56 : i1 to i32
      %cond3A_58 = arith.constant 0 : i32
      %cond3A_59 = arith.cmpi ne, %convert_element_type3A_57, %cond3A_58 : i32
      scf.if %cond3A_59 {
        %sub3A = arith.constant 2 : i32
        %sub3A_213 = arith.subi %add3A_45, %sub3A : i32
        %dma_wait3A_214 = arith.constant 0 : i32
        %dma_wait3A_215 = arith.constant 0 : i32
        %dma_wait3A_216 = arith.constant 0 : i32
        %dma_wait3A_217 = tpu.memref_slice %arg5[%sub3A_213, %dma_wait3A_214, %add3A, %dma_wait3A_215, %dma_wait3A_216] : memref<200x8x32x8x128xf32, #tpu.memory_space<hbm>> -> memref<1x8x1x8x128xf32, #tpu.memory_space<hbm>>
        %dma_wait3A_218 = tpu.memref_squeeze %dma_wait3A_217 : memref<1x8x1x8x128xf32, #tpu.memory_space<hbm>> -> memref<8x8x128xf32, #tpu.memory_space<hbm>>
        %dma_wait3A_219 = arith.constant 0 : i32
        %dma_wait3A_220 = arith.constant 0 : i32
        %dma_wait3A_221 = arith.constant 0 : i32
        %dma_wait3A_222 = tpu.memref_slice %arg5[%sub3A_213, %dma_wait3A_219, %add3A, %dma_wait3A_220, %dma_wait3A_221] : memref<200x8x32x8x128xf32, #tpu.memory_space<hbm>> -> memref<1x8x1x8x128xf32, #tpu.memory_space<hbm>>
        %dma_wait3A_223 = tpu.memref_squeeze %dma_wait3A_222 : memref<1x8x1x8x128xf32, #tpu.memory_space<hbm>> -> memref<8x8x128xf32, #tpu.memory_space<hbm>>
        tpu.wait_dma2 semaphore(%arg14 : memref<!tpu.dma_semaphore, #tpu.memory_space<semaphore_mem>>) src(%arg10 : memref<8x8x128xf32, #tpu.memory_space<vmem>>) dst(%dma_wait3A_223 : memref<8x8x128xf32, #tpu.memory_space<hbm>>)
      } else {
      }
      %get3A = arith.index_cast %add3A_45 : i32 to index
      %get3A_60 = arith.constant 0 : index
      %get3A_61 = tpu.vector_load %arg7[%get3A, %get3A_60] {strides = array<i32>} : memref<200x64xf32, #tpu.memory_space<vmem>>, vector<16xf32>,
      %get3A_62 = arith.index_cast %add3A_45 : i32 to index
      %get3A_63 = arith.constant 16 : index
      %get3A_64 = tpu.vector_load %arg7[%get3A_62, %get3A_63] {strides = array<i32>} : memref<200x64xf32, #tpu.memory_space<vmem>>, vector<16xf32>,
      %get3A_65 = arith.index_cast %add3A_45 : i32 to index
      %get3A_66 = arith.constant 32 : index
      %get3A_67 = tpu.vector_load %arg7[%get3A_65, %get3A_66] {strides = array<i32>} : memref<200x64xf32, #tpu.memory_space<vmem>>, vector<16xf32>,
      %get3A_68 = arith.index_cast %add3A_45 : i32 to index
      %get3A_69 = arith.constant 48 : index
      %get3A_70 = tpu.vector_load %arg7[%get3A_68, %get3A_69] {strides = array<i32>} : memref<200x64xf32, #tpu.memory_space<vmem>>, vector<16xf32>,
      %add3A_71 = arith.constant 0 : i32
      %add3A_72 = vector.broadcast %add3A_71 : i32 to vector<16xi32>
      %add3A_73 = arith.addi %add3A_72, %iota3A : vector<16xi32>
      %add3A_74 = arith.constant 16 : i32
      %add3A_75 = vector.broadcast %add3A_74 : i32 to vector<16xi32>
      %add3A_76 = arith.addi %add3A_75, %iota3A : vector<16xi32>
      %add3A_77 = arith.constant 32 : i32
      %add3A_78 = vector.broadcast %add3A_77 : i32 to vector<16xi32>
      %add3A_79 = arith.addi %add3A_78, %iota3A : vector<16xi32>
      %add3A_80 = arith.constant 48 : i32
      %add3A_81 = vector.broadcast %add3A_80 : i32 to vector<16xi32>
      %add3A_82 = arith.addi %add3A_81, %iota3A : vector<16xi32>
      %add3A_83 = arith.constant 0 : i32
      %add3A_84 = vector.broadcast %add3A_83 : i32 to vector<16xi32>
      %add3A_85 = arith.addi %add3A_84, %iota3A : vector<16xi32>
      %shift_right_arithmetic3A = arith.constant 3 : i32
      %shift_right_arithmetic3A_86 = vector.broadcast %shift_right_arithmetic3A : i32 to vector<16xi32>
      %shift_right_arithmetic3A_87 = arith.shrsi %add3A_85, %shift_right_arithmetic3A_86 : vector<16xi32>
      %add3A_88 = arith.constant 16 : i32
      %add3A_89 = vector.broadcast %add3A_88 : i32 to vector<16xi32>
      %add3A_90 = arith.addi %add3A_89, %iota3A : vector<16xi32>
      %shift_right_arithmetic3A_91 = arith.constant 3 : i32
      %shift_right_arithmetic3A_92 = vector.broadcast %shift_right_arithmetic3A_91 : i32 to vector<16xi32>
      %shift_right_arithmetic3A_93 = arith.shrsi %add3A_90, %shift_right_arithmetic3A_92 : vector<16xi32>
      %add3A_94 = arith.constant 32 : i32
      %add3A_95 = vector.broadcast %add3A_94 : i32 to vector<16xi32>
      %add3A_96 = arith.addi %add3A_95, %iota3A : vector<16xi32>
      %shift_right_arithmetic3A_97 = arith.constant 3 : i32
      %shift_right_arithmetic3A_98 = vector.broadcast %shift_right_arithmetic3A_97 : i32 to vector<16xi32>
      %shift_right_arithmetic3A_99 = arith.shrsi %add3A_96, %shift_right_arithmetic3A_98 : vector<16xi32>
      %add3A_100 = arith.constant 48 : i32
      %add3A_101 = vector.broadcast %add3A_100 : i32 to vector<16xi32>
      %add3A_102 = arith.addi %add3A_101, %iota3A : vector<16xi32>
      %shift_right_arithmetic3A_103 = arith.constant 3 : i32
      %shift_right_arithmetic3A_104 = vector.broadcast %shift_right_arithmetic3A_103 : i32 to vector<16xi32>
      %shift_right_arithmetic3A_105 = arith.shrsi %add3A_102, %shift_right_arithmetic3A_104 : vector<16xi32>
      %and3A = arith.constant 7 : i32
      %and3A_106 = vector.broadcast %and3A : i32 to vector<16xi32>
      %and3A_107 = arith.andi %iota3A, %and3A_106 : vector<16xi32>
      %scan3A_108 = arith.constant 0 : i32
      %scan3A_109 = arith.constant 0 : i32
      %scan3A_110 = arith.constant 16 : i32
      %scan3A_111 = arith.addi %scan3A_109, %scan3A_110 : i32
      %scan3A_112 = arith.constant 1 : i32
      scf.for %scan3A_213 = %scan3A_109 to %scan3A_111 step %scan3A_112  : i32 {
        %add3A_214 = vector.broadcast %scan3A_213 : i32 to vector<16xi32>
        %add3A_215 = arith.addi %iota3A, %add3A_214 : vector<16xi32>
        %and3A_216 = arith.constant 15 : i32
        %and3A_217 = vector.broadcast %and3A_216 : i32 to vector<16xi32>
        %and3A_218 = arith.andi %add3A_215, %and3A_217 : vector<16xi32>
        %add3A_219 = arith.constant 0 : i32
        %add3A_220 = vector.broadcast %add3A_219 : i32 to vector<16xi32>
        %add3A_221 = arith.addi %and3A_218, %add3A_220 : vector<16xi32>
        %add3A_222 = arith.constant 16 : i32
        %add3A_223 = vector.broadcast %add3A_222 : i32 to vector<16xi32>
        %add3A_224 = arith.addi %and3A_218, %add3A_223 : vector<16xi32>
        %add3A_225 = arith.constant 32 : i32
        %add3A_226 = vector.broadcast %add3A_225 : i32 to vector<16xi32>
        %add3A_227 = arith.addi %and3A_218, %add3A_226 : vector<16xi32>
        %add3A_228 = arith.constant 48 : i32
        %add3A_229 = vector.broadcast %add3A_228 : i32 to vector<16xi32>
        %add3A_230 = arith.addi %and3A_218, %add3A_229 : vector<16xi32>
        %add3A_231 = arith.constant 64 : i32
        %add3A_232 = vector.broadcast %add3A_231 : i32 to vector<16xi32>
        %add3A_233 = arith.addi %and3A_218, %add3A_232 : vector<16xi32>
        %add3A_234 = arith.constant 80 : i32
        %add3A_235 = vector.broadcast %add3A_234 : i32 to vector<16xi32>
        %add3A_236 = arith.addi %and3A_218, %add3A_235 : vector<16xi32>
        %add3A_237 = arith.constant 96 : i32
        %add3A_238 = vector.broadcast %add3A_237 : i32 to vector<16xi32>
        %add3A_239 = arith.addi %and3A_218, %add3A_238 : vector<16xi32>
        %add3A_240 = arith.constant 112 : i32
        %add3A_241 = vector.broadcast %add3A_240 : i32 to vector<16xi32>
        %add3A_242 = arith.addi %and3A_218, %add3A_241 : vector<16xi32>
        %gather3A = tpu.vector_load_idx %arg8[%add3A_221, %add3A_73] : memref<128x64xf32, #tpu.memory_space<vmem>>[vector<16xi32>, vector<16xi32>], vector<16xf32>,
        %add3A_243 = arith.addf %gather3A, %get3A_61 : vector<16xf32>
        %gather3A_244 = tpu.vector_load_idx %arg8[%add3A_221, %add3A_76] : memref<128x64xf32, #tpu.memory_space<vmem>>[vector<16xi32>, vector<16xi32>], vector<16xf32>,
        %add3A_245 = arith.addf %gather3A_244, %get3A_64 : vector<16xf32>
        %gather3A_246 = tpu.vector_load_idx %arg8[%add3A_224, %add3A_73] : memref<128x64xf32, #tpu.memory_space<vmem>>[vector<16xi32>, vector<16xi32>], vector<16xf32>,
        %add3A_247 = arith.addf %gather3A_246, %get3A_61 : vector<16xf32>
        %gather3A_248 = tpu.vector_load_idx %arg8[%add3A_224, %add3A_76] : memref<128x64xf32, #tpu.memory_space<vmem>>[vector<16xi32>, vector<16xi32>], vector<16xf32>,
        %add3A_249 = arith.addf %gather3A_248, %get3A_64 : vector<16xf32>
        %gather3A_250 = tpu.vector_load_idx %arg8[%add3A_227, %add3A_73] : memref<128x64xf32, #tpu.memory_space<vmem>>[vector<16xi32>, vector<16xi32>], vector<16xf32>,
        %add3A_251 = arith.addf %gather3A_250, %get3A_61 : vector<16xf32>
        %gather3A_252 = tpu.vector_load_idx %arg8[%add3A_227, %add3A_76] : memref<128x64xf32, #tpu.memory_space<vmem>>[vector<16xi32>, vector<16xi32>], vector<16xf32>,
        %add3A_253 = arith.addf %gather3A_252, %get3A_64 : vector<16xf32>
        %gather3A_254 = tpu.vector_load_idx %arg8[%add3A_230, %add3A_73] : memref<128x64xf32, #tpu.memory_space<vmem>>[vector<16xi32>, vector<16xi32>], vector<16xf32>,
        %add3A_255 = arith.addf %gather3A_254, %get3A_61 : vector<16xf32>
        %gather3A_256 = tpu.vector_load_idx %arg8[%add3A_230, %add3A_76] : memref<128x64xf32, #tpu.memory_space<vmem>>[vector<16xi32>, vector<16xi32>], vector<16xf32>,
        %add3A_257 = arith.addf %gather3A_256, %get3A_64 : vector<16xf32>
        %gather3A_258 = tpu.vector_load_idx %arg8[%add3A_233, %add3A_73] : memref<128x64xf32, #tpu.memory_space<vmem>>[vector<16xi32>, vector<16xi32>], vector<16xf32>,
        %add3A_259 = arith.addf %gather3A_258, %get3A_61 : vector<16xf32>
        %gather3A_260 = tpu.vector_load_idx %arg8[%add3A_233, %add3A_76] : memref<128x64xf32, #tpu.memory_space<vmem>>[vector<16xi32>, vector<16xi32>], vector<16xf32>,
        %add3A_261 = arith.addf %gather3A_260, %get3A_64 : vector<16xf32>
        %gather3A_262 = tpu.vector_load_idx %arg8[%add3A_236, %add3A_73] : memref<128x64xf32, #tpu.memory_space<vmem>>[vector<16xi32>, vector<16xi32>], vector<16xf32>,
        %add3A_263 = arith.addf %gather3A_262, %get3A_61 : vector<16xf32>
        %gather3A_264 = tpu.vector_load_idx %arg8[%add3A_236, %add3A_76] : memref<128x64xf32, #tpu.memory_space<vmem>>[vector<16xi32>, vector<16xi32>], vector<16xf32>,
        %add3A_265 = arith.addf %gather3A_264, %get3A_64 : vector<16xf32>
        %gather3A_266 = tpu.vector_load_idx %arg8[%add3A_239, %add3A_73] : memref<128x64xf32, #tpu.memory_space<vmem>>[vector<16xi32>, vector<16xi32>], vector<16xf32>,
        %add3A_267 = arith.addf %gather3A_266, %get3A_61 : vector<16xf32>
        %gather3A_268 = tpu.vector_load_idx %arg8[%add3A_239, %add3A_76] : memref<128x64xf32, #tpu.memory_space<vmem>>[vector<16xi32>, vector<16xi32>], vector<16xf32>,
        %add3A_269 = arith.addf %gather3A_268, %get3A_64 : vector<16xf32>
        %gather3A_270 = tpu.vector_load_idx %arg8[%add3A_242, %add3A_73] : memref<128x64xf32, #tpu.memory_space<vmem>>[vector<16xi32>, vector<16xi32>], vector<16xf32>,
        %add3A_271 = arith.addf %gather3A_270, %get3A_61 : vector<16xf32>
        %gather3A_272 = tpu.vector_load_idx %arg8[%add3A_242, %add3A_76] : memref<128x64xf32, #tpu.memory_space<vmem>>[vector<16xi32>, vector<16xi32>], vector<16xf32>,
        %add3A_273 = arith.addf %gather3A_272, %get3A_64 : vector<16xf32>
        tpu.vector_store_idx %arg10[%shift_right_arithmetic3A_87, %and3A_107, %add3A_221], %add3A_243 : memref<8x8x128xf32, #tpu.memory_space<vmem>>[vector<16xi32>, vector<16xi32>, vector<16xi32>], vector<16xf32>,
        tpu.vector_store_idx %arg10[%shift_right_arithmetic3A_93, %and3A_107, %add3A_221], %add3A_245 : memref<8x8x128xf32, #tpu.memory_space<vmem>>[vector<16xi32>, vector<16xi32>, vector<16xi32>], vector<16xf32>,
        tpu.vector_store_idx %arg10[%shift_right_arithmetic3A_87, %and3A_107, %add3A_224], %add3A_247 : memref<8x8x128xf32, #tpu.memory_space<vmem>>[vector<16xi32>, vector<16xi32>, vector<16xi32>], vector<16xf32>,
        tpu.vector_store_idx %arg10[%shift_right_arithmetic3A_93, %and3A_107, %add3A_224], %add3A_249 : memref<8x8x128xf32, #tpu.memory_space<vmem>>[vector<16xi32>, vector<16xi32>, vector<16xi32>], vector<16xf32>,
        tpu.vector_store_idx %arg10[%shift_right_arithmetic3A_87, %and3A_107, %add3A_227], %add3A_251 : memref<8x8x128xf32, #tpu.memory_space<vmem>>[vector<16xi32>, vector<16xi32>, vector<16xi32>], vector<16xf32>,
        tpu.vector_store_idx %arg10[%shift_right_arithmetic3A_93, %and3A_107, %add3A_227], %add3A_253 : memref<8x8x128xf32, #tpu.memory_space<vmem>>[vector<16xi32>, vector<16xi32>, vector<16xi32>], vector<16xf32>,
        tpu.vector_store_idx %arg10[%shift_right_arithmetic3A_87, %and3A_107, %add3A_230], %add3A_255 : memref<8x8x128xf32, #tpu.memory_space<vmem>>[vector<16xi32>, vector<16xi32>, vector<16xi32>], vector<16xf32>,
        tpu.vector_store_idx %arg10[%shift_right_arithmetic3A_93, %and3A_107, %add3A_230], %add3A_257 : memref<8x8x128xf32, #tpu.memory_space<vmem>>[vector<16xi32>, vector<16xi32>, vector<16xi32>], vector<16xf32>,
        tpu.vector_store_idx %arg10[%shift_right_arithmetic3A_87, %and3A_107, %add3A_233], %add3A_259 : memref<8x8x128xf32, #tpu.memory_space<vmem>>[vector<16xi32>, vector<16xi32>, vector<16xi32>], vector<16xf32>,
        tpu.vector_store_idx %arg10[%shift_right_arithmetic3A_93, %and3A_107, %add3A_233], %add3A_261 : memref<8x8x128xf32, #tpu.memory_space<vmem>>[vector<16xi32>, vector<16xi32>, vector<16xi32>], vector<16xf32>,
        tpu.vector_store_idx %arg10[%shift_right_arithmetic3A_87, %and3A_107, %add3A_236], %add3A_263 : memref<8x8x128xf32, #tpu.memory_space<vmem>>[vector<16xi32>, vector<16xi32>, vector<16xi32>], vector<16xf32>,
        tpu.vector_store_idx %arg10[%shift_right_arithmetic3A_93, %and3A_107, %add3A_236], %add3A_265 : memref<8x8x128xf32, #tpu.memory_space<vmem>>[vector<16xi32>, vector<16xi32>, vector<16xi32>], vector<16xf32>,
        tpu.vector_store_idx %arg10[%shift_right_arithmetic3A_87, %and3A_107, %add3A_239], %add3A_267 : memref<8x8x128xf32, #tpu.memory_space<vmem>>[vector<16xi32>, vector<16xi32>, vector<16xi32>], vector<16xf32>,
        tpu.vector_store_idx %arg10[%shift_right_arithmetic3A_93, %and3A_107, %add3A_239], %add3A_269 : memref<8x8x128xf32, #tpu.memory_space<vmem>>[vector<16xi32>, vector<16xi32>, vector<16xi32>], vector<16xf32>,
        tpu.vector_store_idx %arg10[%shift_right_arithmetic3A_87, %and3A_107, %add3A_242], %add3A_271 : memref<8x8x128xf32, #tpu.memory_space<vmem>>[vector<16xi32>, vector<16xi32>, vector<16xi32>], vector<16xf32>,
        tpu.vector_store_idx %arg10[%shift_right_arithmetic3A_93, %and3A_107, %add3A_242], %add3A_273 : memref<8x8x128xf32, #tpu.memory_space<vmem>>[vector<16xi32>, vector<16xi32>, vector<16xi32>], vector<16xf32>,
        %gather3A_274 = tpu.vector_load_idx %arg8[%add3A_221, %add3A_79] : memref<128x64xf32, #tpu.memory_space<vmem>>[vector<16xi32>, vector<16xi32>], vector<16xf32>,
        %add3A_275 = arith.addf %gather3A_274, %get3A_67 : vector<16xf32>
        %gather3A_276 = tpu.vector_load_idx %arg8[%add3A_221, %add3A_82] : memref<128x64xf32, #tpu.memory_space<vmem>>[vector<16xi32>, vector<16xi32>], vector<16xf32>,
        %add3A_277 = arith.addf %gather3A_276, %get3A_70 : vector<16xf32>
        %gather3A_278 = tpu.vector_load_idx %arg8[%add3A_224, %add3A_79] : memref<128x64xf32, #tpu.memory_space<vmem>>[vector<16xi32>, vector<16xi32>], vector<16xf32>,
        %add3A_279 = arith.addf %gather3A_278, %get3A_67 : vector<16xf32>
        %gather3A_280 = tpu.vector_load_idx %arg8[%add3A_224, %add3A_82] : memref<128x64xf32, #tpu.memory_space<vmem>>[vector<16xi32>, vector<16xi32>], vector<16xf32>,
        %add3A_281 = arith.addf %gather3A_280, %get3A_70 : vector<16xf32>
        %gather3A_282 = tpu.vector_load_idx %arg8[%add3A_227, %add3A_79] : memref<128x64xf32, #tpu.memory_space<vmem>>[vector<16xi32>, vector<16xi32>], vector<16xf32>,
        %add3A_283 = arith.addf %gather3A_282, %get3A_67 : vector<16xf32>
        %gather3A_284 = tpu.vector_load_idx %arg8[%add3A_227, %add3A_82] : memref<128x64xf32, #tpu.memory_space<vmem>>[vector<16xi32>, vector<16xi32>], vector<16xf32>,
        %add3A_285 = arith.addf %gather3A_284, %get3A_70 : vector<16xf32>
        %gather3A_286 = tpu.vector_load_idx %arg8[%add3A_230, %add3A_79] : memref<128x64xf32, #tpu.memory_space<vmem>>[vector<16xi32>, vector<16xi32>], vector<16xf32>,
        %add3A_287 = arith.addf %gather3A_286, %get3A_67 : vector<16xf32>
        %gather3A_288 = tpu.vector_load_idx %arg8[%add3A_230, %add3A_82] : memref<128x64xf32, #tpu.memory_space<vmem>>[vector<16xi32>, vector<16xi32>], vector<16xf32>,
        %add3A_289 = arith.addf %gather3A_288, %get3A_70 : vector<16xf32>
        %gather3A_290 = tpu.vector_load_idx %arg8[%add3A_233, %add3A_79] : memref<128x64xf32, #tpu.memory_space<vmem>>[vector<16xi32>, vector<16xi32>], vector<16xf32>,
        %add3A_291 = arith.addf %gather3A_290, %get3A_67 : vector<16xf32>
        %gather3A_292 = tpu.vector_load_idx %arg8[%add3A_233, %add3A_82] : memref<128x64xf32, #tpu.memory_space<vmem>>[vector<16xi32>, vector<16xi32>], vector<16xf32>,
        %add3A_293 = arith.addf %gather3A_292, %get3A_70 : vector<16xf32>
        %gather3A_294 = tpu.vector_load_idx %arg8[%add3A_236, %add3A_79] : memref<128x64xf32, #tpu.memory_space<vmem>>[vector<16xi32>, vector<16xi32>], vector<16xf32>,
        %add3A_295 = arith.addf %gather3A_294, %get3A_67 : vector<16xf32>
        %gather3A_296 = tpu.vector_load_idx %arg8[%add3A_236, %add3A_82] : memref<128x64xf32, #tpu.memory_space<vmem>>[vector<16xi32>, vector<16xi32>], vector<16xf32>,
        %add3A_297 = arith.addf %gather3A_296, %get3A_70 : vector<16xf32>
        %gather3A_298 = tpu.vector_load_idx %arg8[%add3A_239, %add3A_79] : memref<128x64xf32, #tpu.memory_space<vmem>>[vector<16xi32>, vector<16xi32>], vector<16xf32>,
        %add3A_299 = arith.addf %gather3A_298, %get3A_67 : vector<16xf32>
        %gather3A_300 = tpu.vector_load_idx %arg8[%add3A_239, %add3A_82] : memref<128x64xf32, #tpu.memory_space<vmem>>[vector<16xi32>, vector<16xi32>], vector<16xf32>,
        %add3A_301 = arith.addf %gather3A_300, %get3A_70 : vector<16xf32>
        %gather3A_302 = tpu.vector_load_idx %arg8[%add3A_242, %add3A_79] : memref<128x64xf32, #tpu.memory_space<vmem>>[vector<16xi32>, vector<16xi32>], vector<16xf32>,
        %add3A_303 = arith.addf %gather3A_302, %get3A_67 : vector<16xf32>
        %gather3A_304 = tpu.vector_load_idx %arg8[%add3A_242, %add3A_82] : memref<128x64xf32, #tpu.memory_space<vmem>>[vector<16xi32>, vector<16xi32>], vector<16xf32>,
        %add3A_305 = arith.addf %gather3A_304, %get3A_70 : vector<16xf32>
        tpu.vector_store_idx %arg10[%shift_right_arithmetic3A_99, %and3A_107, %add3A_221], %add3A_275 : memref<8x8x128xf32, #tpu.memory_space<vmem>>[vector<16xi32>, vector<16xi32>, vector<16xi32>], vector<16xf32>,
        tpu.vector_store_idx %arg10[%shift_right_arithmetic3A_105, %and3A_107, %add3A_221], %add3A_277 : memref<8x8x128xf32, #tpu.memory_space<vmem>>[vector<16xi32>, vector<16xi32>, vector<16xi32>], vector<16xf32>,
        tpu.vector_store_idx %arg10[%shift_right_arithmetic3A_99, %and3A_107, %add3A_224], %add3A_279 : memref<8x8x128xf32, #tpu.memory_space<vmem>>[vector<16xi32>, vector<16xi32>, vector<16xi32>], vector<16xf32>,
        tpu.vector_store_idx %arg10[%shift_right_arithmetic3A_105, %and3A_107, %add3A_224], %add3A_281 : memref<8x8x128xf32, #tpu.memory_space<vmem>>[vector<16xi32>, vector<16xi32>, vector<16xi32>], vector<16xf32>,
        tpu.vector_store_idx %arg10[%shift_right_arithmetic3A_99, %and3A_107, %add3A_227], %add3A_283 : memref<8x8x128xf32, #tpu.memory_space<vmem>>[vector<16xi32>, vector<16xi32>, vector<16xi32>], vector<16xf32>,
        tpu.vector_store_idx %arg10[%shift_right_arithmetic3A_105, %and3A_107, %add3A_227], %add3A_285 : memref<8x8x128xf32, #tpu.memory_space<vmem>>[vector<16xi32>, vector<16xi32>, vector<16xi32>], vector<16xf32>,
        tpu.vector_store_idx %arg10[%shift_right_arithmetic3A_99, %and3A_107, %add3A_230], %add3A_287 : memref<8x8x128xf32, #tpu.memory_space<vmem>>[vector<16xi32>, vector<16xi32>, vector<16xi32>], vector<16xf32>,
        tpu.vector_store_idx %arg10[%shift_right_arithmetic3A_105, %and3A_107, %add3A_230], %add3A_289 : memref<8x8x128xf32, #tpu.memory_space<vmem>>[vector<16xi32>, vector<16xi32>, vector<16xi32>], vector<16xf32>,
        tpu.vector_store_idx %arg10[%shift_right_arithmetic3A_99, %and3A_107, %add3A_233], %add3A_291 : memref<8x8x128xf32, #tpu.memory_space<vmem>>[vector<16xi32>, vector<16xi32>, vector<16xi32>], vector<16xf32>,
        tpu.vector_store_idx %arg10[%shift_right_arithmetic3A_105, %and3A_107, %add3A_233], %add3A_293 : memref<8x8x128xf32, #tpu.memory_space<vmem>>[vector<16xi32>, vector<16xi32>, vector<16xi32>], vector<16xf32>,
        tpu.vector_store_idx %arg10[%shift_right_arithmetic3A_99, %and3A_107, %add3A_236], %add3A_295 : memref<8x8x128xf32, #tpu.memory_space<vmem>>[vector<16xi32>, vector<16xi32>, vector<16xi32>], vector<16xf32>,
        tpu.vector_store_idx %arg10[%shift_right_arithmetic3A_105, %and3A_107, %add3A_236], %add3A_297 : memref<8x8x128xf32, #tpu.memory_space<vmem>>[vector<16xi32>, vector<16xi32>, vector<16xi32>], vector<16xf32>,
        tpu.vector_store_idx %arg10[%shift_right_arithmetic3A_99, %and3A_107, %add3A_239], %add3A_299 : memref<8x8x128xf32, #tpu.memory_space<vmem>>[vector<16xi32>, vector<16xi32>, vector<16xi32>], vector<16xf32>,
        tpu.vector_store_idx %arg10[%shift_right_arithmetic3A_105, %and3A_107, %add3A_239], %add3A_301 : memref<8x8x128xf32, #tpu.memory_space<vmem>>[vector<16xi32>, vector<16xi32>, vector<16xi32>], vector<16xf32>,
        tpu.vector_store_idx %arg10[%shift_right_arithmetic3A_99, %and3A_107, %add3A_242], %add3A_303 : memref<8x8x128xf32, #tpu.memory_space<vmem>>[vector<16xi32>, vector<16xi32>, vector<16xi32>], vector<16xf32>,
        tpu.vector_store_idx %arg10[%shift_right_arithmetic3A_105, %and3A_107, %add3A_242], %add3A_305 : memref<8x8x128xf32, #tpu.memory_space<vmem>>[vector<16xi32>, vector<16xi32>, vector<16xi32>], vector<16xf32>,
      }
      %scan3A_113 = arith.constant 16 : i32
      %dma_start3A_114 = arith.constant 0 : i32
      %dma_start3A_115 = arith.constant 0 : i32
      %dma_start3A_116 = arith.constant 0 : i32
      %dma_start3A_117 = tpu.memref_slice %arg5[%add3A_45, %dma_start3A_114, %add3A, %dma_start3A_115, %dma_start3A_116] : memref<200x8x32x8x128xf32, #tpu.memory_space<hbm>> -> memref<1x8x1x8x128xf32, #tpu.memory_space<hbm>>
      %dma_start3A_118 = tpu.memref_squeeze %dma_start3A_117 : memref<1x8x1x8x128xf32, #tpu.memory_space<hbm>> -> memref<8x8x128xf32, #tpu.memory_space<hbm>>
      %dma_start3A_119 = arith.constant 0 : i32
      %dma_start3A_120 = arith.constant 0 : i32
      %dma_start3A_121 = arith.constant 0 : i32
      %dma_start3A_122 = tpu.memref_slice %arg5[%add3A_45, %dma_start3A_119, %add3A, %dma_start3A_120, %dma_start3A_121] : memref<200x8x32x8x128xf32, #tpu.memory_space<hbm>> -> memref<1x8x1x8x128xf32, #tpu.memory_space<hbm>>
      %dma_start3A_123 = tpu.memref_squeeze %dma_start3A_122 : memref<1x8x1x8x128xf32, #tpu.memory_space<hbm>> -> memref<8x8x128xf32, #tpu.memory_space<hbm>>
      tpu.enqueue_dma source(%arg10 : memref<8x8x128xf32, #tpu.memory_space<vmem>>) target(%dma_start3A_123 : memref<8x8x128xf32, #tpu.memory_space<hbm>>) target_semaphore(%arg14 : memref<!tpu.dma_semaphore, #tpu.memory_space<semaphore_mem>>)
      %mul3A_124 = arith.constant 2 : i32
      %mul3A_125 = arith.muli %scan3A_41, %mul3A_124 : i32
      %add3A_126 = arith.constant 1 : i32
      %add3A_127 = arith.addi %mul3A_125, %add3A_126 : i32
      %add3A_128 = arith.constant 1 : i32
      %add3A_129 = arith.addi %add3A_127, %add3A_128 : i32
      %lt3A_130 = arith.constant 200 : i32
      %lt3A_131 = arith.cmpi slt, %add3A_129, %lt3A_130 : i32
      %convert_element_type3A_132 = arith.extui %lt3A_131 : i1 to i32
      %cond3A_133 = arith.constant 0 : i32
      %cond3A_134 = arith.cmpi ne, %convert_element_type3A_132, %cond3A_133 : i32
      scf.if %cond3A_134 {
        %add3A_213 = arith.constant 1 : i32
        %add3A_214 = arith.addi %add3A_127, %add3A_213 : i32
        %dma_start3A_215 = arith.constant 0 : i32
        %dma_start3A_216 = tpu.memref_slice %arg6[%add3A_214, %dma_start3A_215] : memref<200x128xi32, #tpu.memory_space<vmem>> -> memref<1x128xi32, #tpu.memory_space<vmem>>
        %dma_start3A_217 = tpu.memref_squeeze %dma_start3A_216 : memref<1x128xi32, #tpu.memory_space<vmem>> -> memref<128xi32, #tpu.memory_space<vmem>>
        %dma_start3A_218 = arith.constant 0 : i32
        %dma_start3A_219 = arith.constant 0 : i32
        %dma_start3A_220 = tpu.memref_slice %arg3[%dma_start3A_218, %dma_start3A_219] : memref<1003520x64xf32, #tpu.memory_space<hbm>> -> memref<1003520x64xf32, #tpu.memory_space<hbm>>
        tpu.enqueue_indirect_dma source(%dma_start3A_220 : memref<1003520x64xf32, #tpu.memory_space<hbm>>) target(%arg8 : memref<128x64xf32, #tpu.memory_space<vmem>>) offsets(%dma_start3A_217 : memref<128xi32, #tpu.memory_space<vmem>>) semaphore(%arg12 : memref<!tpu.dma_semaphore, #tpu.memory_space<semaphore_mem>>)
      } else {
      }
      %dma_wait3A_135 = arith.constant 0 : i32
      %dma_wait3A_136 = tpu.memref_slice %arg6[%add3A_127, %dma_wait3A_135] : memref<200x128xi32, #tpu.memory_space<vmem>> -> memref<1x128xi32, #tpu.memory_space<vmem>>
      %dma_wait3A_137 = tpu.memref_squeeze %dma_wait3A_136 : memref<1x128xi32, #tpu.memory_space<vmem>> -> memref<128xi32, #tpu.memory_space<vmem>>
      %dma_wait3A_138 = arith.constant 0 : i32
      %dma_wait3A_139 = arith.constant 0 : i32
      %dma_wait3A_140 = tpu.memref_slice %arg3[%dma_wait3A_138, %dma_wait3A_139] : memref<1003520x64xf32, #tpu.memory_space<hbm>> -> memref<1003520x64xf32, #tpu.memory_space<hbm>>
      tpu.wait_indirect_dma semaphore(%arg13 : memref<!tpu.dma_semaphore, #tpu.memory_space<semaphore_mem>>) src(%dma_wait3A_140 : memref<1003520x64xf32, #tpu.memory_space<hbm>>) dst(%arg9 : memref<128x64xf32, #tpu.memory_space<vmem>>)
      %ge3A_141 = arith.constant 2 : i32
      %ge3A_142 = arith.cmpi sge, %add3A_127, %ge3A_141 : i32
      %convert_element_type3A_143 = arith.extui %ge3A_142 : i1 to i32
      %cond3A_144 = arith.constant 0 : i32
      %cond3A_145 = arith.cmpi ne, %convert_element_type3A_143, %cond3A_144 : i32
      scf.if %cond3A_145 {
        %sub3A = arith.constant 2 : i32
        %sub3A_213 = arith.subi %add3A_127, %sub3A : i32
        %dma_wait3A_214 = arith.constant 0 : i32
        %dma_wait3A_215 = arith.constant 0 : i32
        %dma_wait3A_216 = arith.constant 0 : i32
        %dma_wait3A_217 = tpu.memref_slice %arg5[%sub3A_213, %dma_wait3A_214, %add3A, %dma_wait3A_215, %dma_wait3A_216] : memref<200x8x32x8x128xf32, #tpu.memory_space<hbm>> -> memref<1x8x1x8x128xf32, #tpu.memory_space<hbm>>
        %dma_wait3A_218 = tpu.memref_squeeze %dma_wait3A_217 : memref<1x8x1x8x128xf32, #tpu.memory_space<hbm>> -> memref<8x8x128xf32, #tpu.memory_space<hbm>>
        %dma_wait3A_219 = arith.constant 0 : i32
        %dma_wait3A_220 = arith.constant 0 : i32
        %dma_wait3A_221 = arith.constant 0 : i32
        %dma_wait3A_222 = tpu.memref_slice %arg5[%sub3A_213, %dma_wait3A_219, %add3A, %dma_wait3A_220, %dma_wait3A_221] : memref<200x8x32x8x128xf32, #tpu.memory_space<hbm>> -> memref<1x8x1x8x128xf32, #tpu.memory_space<hbm>>
        %dma_wait3A_223 = tpu.memref_squeeze %dma_wait3A_222 : memref<1x8x1x8x128xf32, #tpu.memory_space<hbm>> -> memref<8x8x128xf32, #tpu.memory_space<hbm>>
        tpu.wait_dma2 semaphore(%arg15 : memref<!tpu.dma_semaphore, #tpu.memory_space<semaphore_mem>>) src(%arg11 : memref<8x8x128xf32, #tpu.memory_space<vmem>>) dst(%dma_wait3A_223 : memref<8x8x128xf32, #tpu.memory_space<hbm>>)
      } else {
      }
      %get3A_146 = arith.index_cast %add3A_127 : i32 to index
      %get3A_147 = arith.constant 0 : index
      %get3A_148 = tpu.vector_load %arg7[%get3A_146, %get3A_147] {strides = array<i32>} : memref<200x64xf32, #tpu.memory_space<vmem>>, vector<16xf32>,
      %get3A_149 = arith.index_cast %add3A_127 : i32 to index
      %get3A_150 = arith.constant 16 : index
      %get3A_151 = tpu.vector_load %arg7[%get3A_149, %get3A_150] {strides = array<i32>} : memref<200x64xf32, #tpu.memory_space<vmem>>, vector<16xf32>,
      %get3A_152 = arith.index_cast %add3A_127 : i32 to index
      %get3A_153 = arith.constant 32 : index
      %get3A_154 = tpu.vector_load %arg7[%get3A_152, %get3A_153] {strides = array<i32>} : memref<200x64xf32, #tpu.memory_space<vmem>>, vector<16xf32>,
      %get3A_155 = arith.index_cast %add3A_127 : i32 to index
      %get3A_156 = arith.constant 48 : index
      %get3A_157 = tpu.vector_load %arg7[%get3A_155, %get3A_156] {strides = array<i32>} : memref<200x64xf32, #tpu.memory_space<vmem>>, vector<16xf32>,
      %add3A_158 = arith.constant 0 : i32
      %add3A_159 = vector.broadcast %add3A_158 : i32 to vector<16xi32>
      %add3A_160 = arith.addi %add3A_159, %iota3A : vector<16xi32>
      %add3A_161 = arith.constant 16 : i32
      %add3A_162 = vector.broadcast %add3A_161 : i32 to vector<16xi32>
      %add3A_163 = arith.addi %add3A_162, %iota3A : vector<16xi32>
      %add3A_164 = arith.constant 32 : i32
      %add3A_165 = vector.broadcast %add3A_164 : i32 to vector<16xi32>
      %add3A_166 = arith.addi %add3A_165, %iota3A : vector<16xi32>
      %add3A_167 = arith.constant 48 : i32
      %add3A_168 = vector.broadcast %add3A_167 : i32 to vector<16xi32>
      %add3A_169 = arith.addi %add3A_168, %iota3A : vector<16xi32>
      %add3A_170 = arith.constant 0 : i32
      %add3A_171 = vector.broadcast %add3A_170 : i32 to vector<16xi32>
      %add3A_172 = arith.addi %add3A_171, %iota3A : vector<16xi32>
      %shift_right_arithmetic3A_173 = arith.constant 3 : i32
      %shift_right_arithmetic3A_174 = vector.broadcast %shift_right_arithmetic3A_173 : i32 to vector<16xi32>
      %shift_right_arithmetic3A_175 = arith.shrsi %add3A_172, %shift_right_arithmetic3A_174 : vector<16xi32>
      %add3A_176 = arith.constant 16 : i32
      %add3A_177 = vector.broadcast %add3A_176 : i32 to vector<16xi32>
      %add3A_178 = arith.addi %add3A_177, %iota3A : vector<16xi32>
      %shift_right_arithmetic3A_179 = arith.constant 3 : i32
      %shift_right_arithmetic3A_180 = vector.broadcast %shift_right_arithmetic3A_179 : i32 to vector<16xi32>
      %shift_right_arithmetic3A_181 = arith.shrsi %add3A_178, %shift_right_arithmetic3A_180 : vector<16xi32>
      %add3A_182 = arith.constant 32 : i32
      %add3A_183 = vector.broadcast %add3A_182 : i32 to vector<16xi32>
      %add3A_184 = arith.addi %add3A_183, %iota3A : vector<16xi32>
      %shift_right_arithmetic3A_185 = arith.constant 3 : i32
      %shift_right_arithmetic3A_186 = vector.broadcast %shift_right_arithmetic3A_185 : i32 to vector<16xi32>
      %shift_right_arithmetic3A_187 = arith.shrsi %add3A_184, %shift_right_arithmetic3A_186 : vector<16xi32>
      %add3A_188 = arith.constant 48 : i32
      %add3A_189 = vector.broadcast %add3A_188 : i32 to vector<16xi32>
      %add3A_190 = arith.addi %add3A_189, %iota3A : vector<16xi32>
      %shift_right_arithmetic3A_191 = arith.constant 3 : i32
      %shift_right_arithmetic3A_192 = vector.broadcast %shift_right_arithmetic3A_191 : i32 to vector<16xi32>
      %shift_right_arithmetic3A_193 = arith.shrsi %add3A_190, %shift_right_arithmetic3A_192 : vector<16xi32>
      %and3A_194 = arith.constant 7 : i32
      %and3A_195 = vector.broadcast %and3A_194 : i32 to vector<16xi32>
      %and3A_196 = arith.andi %iota3A, %and3A_195 : vector<16xi32>
      %scan3A_197 = arith.constant 0 : i32
      %scan3A_198 = arith.constant 0 : i32
      %scan3A_199 = arith.constant 16 : i32
      %scan3A_200 = arith.addi %scan3A_198, %scan3A_199 : i32
      %scan3A_201 = arith.constant 1 : i32
      scf.for %scan3A_213 = %scan3A_198 to %scan3A_200 step %scan3A_201  : i32 {
        %add3A_214 = vector.broadcast %scan3A_213 : i32 to vector<16xi32>
        %add3A_215 = arith.addi %iota3A, %add3A_214 : vector<16xi32>
        %and3A_216 = arith.constant 15 : i32
        %and3A_217 = vector.broadcast %and3A_216 : i32 to vector<16xi32>
        %and3A_218 = arith.andi %add3A_215, %and3A_217 : vector<16xi32>
        %add3A_219 = arith.constant 0 : i32
        %add3A_220 = vector.broadcast %add3A_219 : i32 to vector<16xi32>
        %add3A_221 = arith.addi %and3A_218, %add3A_220 : vector<16xi32>
        %add3A_222 = arith.constant 16 : i32
        %add3A_223 = vector.broadcast %add3A_222 : i32 to vector<16xi32>
        %add3A_224 = arith.addi %and3A_218, %add3A_223 : vector<16xi32>
        %add3A_225 = arith.constant 32 : i32
        %add3A_226 = vector.broadcast %add3A_225 : i32 to vector<16xi32>
        %add3A_227 = arith.addi %and3A_218, %add3A_226 : vector<16xi32>
        %add3A_228 = arith.constant 48 : i32
        %add3A_229 = vector.broadcast %add3A_228 : i32 to vector<16xi32>
        %add3A_230 = arith.addi %and3A_218, %add3A_229 : vector<16xi32>
        %add3A_231 = arith.constant 64 : i32
        %add3A_232 = vector.broadcast %add3A_231 : i32 to vector<16xi32>
        %add3A_233 = arith.addi %and3A_218, %add3A_232 : vector<16xi32>
        %add3A_234 = arith.constant 80 : i32
        %add3A_235 = vector.broadcast %add3A_234 : i32 to vector<16xi32>
        %add3A_236 = arith.addi %and3A_218, %add3A_235 : vector<16xi32>
        %add3A_237 = arith.constant 96 : i32
        %add3A_238 = vector.broadcast %add3A_237 : i32 to vector<16xi32>
        %add3A_239 = arith.addi %and3A_218, %add3A_238 : vector<16xi32>
        %add3A_240 = arith.constant 112 : i32
        %add3A_241 = vector.broadcast %add3A_240 : i32 to vector<16xi32>
        %add3A_242 = arith.addi %and3A_218, %add3A_241 : vector<16xi32>
        %gather3A = tpu.vector_load_idx %arg9[%add3A_221, %add3A_160] : memref<128x64xf32, #tpu.memory_space<vmem>>[vector<16xi32>, vector<16xi32>], vector<16xf32>,
        %add3A_243 = arith.addf %gather3A, %get3A_148 : vector<16xf32>
        %gather3A_244 = tpu.vector_load_idx %arg9[%add3A_221, %add3A_163] : memref<128x64xf32, #tpu.memory_space<vmem>>[vector<16xi32>, vector<16xi32>], vector<16xf32>,
        %add3A_245 = arith.addf %gather3A_244, %get3A_151 : vector<16xf32>
        %gather3A_246 = tpu.vector_load_idx %arg9[%add3A_224, %add3A_160] : memref<128x64xf32, #tpu.memory_space<vmem>>[vector<16xi32>, vector<16xi32>], vector<16xf32>,
        %add3A_247 = arith.addf %gather3A_246, %get3A_148 : vector<16xf32>
        %gather3A_248 = tpu.vector_load_idx %arg9[%add3A_224, %add3A_163] : memref<128x64xf32, #tpu.memory_space<vmem>>[vector<16xi32>, vector<16xi32>], vector<16xf32>,
        %add3A_249 = arith.addf %gather3A_248, %get3A_151 : vector<16xf32>
        %gather3A_250 = tpu.vector_load_idx %arg9[%add3A_227, %add3A_160] : memref<128x64xf32, #tpu.memory_space<vmem>>[vector<16xi32>, vector<16xi32>], vector<16xf32>,
        %add3A_251 = arith.addf %gather3A_250, %get3A_148 : vector<16xf32>
        %gather3A_252 = tpu.vector_load_idx %arg9[%add3A_227, %add3A_163] : memref<128x64xf32, #tpu.memory_space<vmem>>[vector<16xi32>, vector<16xi32>], vector<16xf32>,
        %add3A_253 = arith.addf %gather3A_252, %get3A_151 : vector<16xf32>
        %gather3A_254 = tpu.vector_load_idx %arg9[%add3A_230, %add3A_160] : memref<128x64xf32, #tpu.memory_space<vmem>>[vector<16xi32>, vector<16xi32>], vector<16xf32>,
        %add3A_255 = arith.addf %gather3A_254, %get3A_148 : vector<16xf32>
        %gather3A_256 = tpu.vector_load_idx %arg9[%add3A_230, %add3A_163] : memref<128x64xf32, #tpu.memory_space<vmem>>[vector<16xi32>, vector<16xi32>], vector<16xf32>,
        %add3A_257 = arith.addf %gather3A_256, %get3A_151 : vector<16xf32>
        %gather3A_258 = tpu.vector_load_idx %arg9[%add3A_233, %add3A_160] : memref<128x64xf32, #tpu.memory_space<vmem>>[vector<16xi32>, vector<16xi32>], vector<16xf32>,
        %add3A_259 = arith.addf %gather3A_258, %get3A_148 : vector<16xf32>
        %gather3A_260 = tpu.vector_load_idx %arg9[%add3A_233, %add3A_163] : memref<128x64xf32, #tpu.memory_space<vmem>>[vector<16xi32>, vector<16xi32>], vector<16xf32>,
        %add3A_261 = arith.addf %gather3A_260, %get3A_151 : vector<16xf32>
        %gather3A_262 = tpu.vector_load_idx %arg9[%add3A_236, %add3A_160] : memref<128x64xf32, #tpu.memory_space<vmem>>[vector<16xi32>, vector<16xi32>], vector<16xf32>,
        %add3A_263 = arith.addf %gather3A_262, %get3A_148 : vector<16xf32>
        %gather3A_264 = tpu.vector_load_idx %arg9[%add3A_236, %add3A_163] : memref<128x64xf32, #tpu.memory_space<vmem>>[vector<16xi32>, vector<16xi32>], vector<16xf32>,
        %add3A_265 = arith.addf %gather3A_264, %get3A_151 : vector<16xf32>
        %gather3A_266 = tpu.vector_load_idx %arg9[%add3A_239, %add3A_160] : memref<128x64xf32, #tpu.memory_space<vmem>>[vector<16xi32>, vector<16xi32>], vector<16xf32>,
        %add3A_267 = arith.addf %gather3A_266, %get3A_148 : vector<16xf32>
        %gather3A_268 = tpu.vector_load_idx %arg9[%add3A_239, %add3A_163] : memref<128x64xf32, #tpu.memory_space<vmem>>[vector<16xi32>, vector<16xi32>], vector<16xf32>,
        %add3A_269 = arith.addf %gather3A_268, %get3A_151 : vector<16xf32>
        %gather3A_270 = tpu.vector_load_idx %arg9[%add3A_242, %add3A_160] : memref<128x64xf32, #tpu.memory_space<vmem>>[vector<16xi32>, vector<16xi32>], vector<16xf32>,
        %add3A_271 = arith.addf %gather3A_270, %get3A_148 : vector<16xf32>
        %gather3A_272 = tpu.vector_load_idx %arg9[%add3A_242, %add3A_163] : memref<128x64xf32, #tpu.memory_space<vmem>>[vector<16xi32>, vector<16xi32>], vector<16xf32>,
        %add3A_273 = arith.addf %gather3A_272, %get3A_151 : vector<16xf32>
        tpu.vector_store_idx %arg11[%shift_right_arithmetic3A_175, %and3A_196, %add3A_221], %add3A_243 : memref<8x8x128xf32, #tpu.memory_space<vmem>>[vector<16xi32>, vector<16xi32>, vector<16xi32>], vector<16xf32>,
        tpu.vector_store_idx %arg11[%shift_right_arithmetic3A_181, %and3A_196, %add3A_221], %add3A_245 : memref<8x8x128xf32, #tpu.memory_space<vmem>>[vector<16xi32>, vector<16xi32>, vector<16xi32>], vector<16xf32>,
        tpu.vector_store_idx %arg11[%shift_right_arithmetic3A_175, %and3A_196, %add3A_224], %add3A_247 : memref<8x8x128xf32, #tpu.memory_space<vmem>>[vector<16xi32>, vector<16xi32>, vector<16xi32>], vector<16xf32>,
        tpu.vector_store_idx %arg11[%shift_right_arithmetic3A_181, %and3A_196, %add3A_224], %add3A_249 : memref<8x8x128xf32, #tpu.memory_space<vmem>>[vector<16xi32>, vector<16xi32>, vector<16xi32>], vector<16xf32>,
        tpu.vector_store_idx %arg11[%shift_right_arithmetic3A_175, %and3A_196, %add3A_227], %add3A_251 : memref<8x8x128xf32, #tpu.memory_space<vmem>>[vector<16xi32>, vector<16xi32>, vector<16xi32>], vector<16xf32>,
        tpu.vector_store_idx %arg11[%shift_right_arithmetic3A_181, %and3A_196, %add3A_227], %add3A_253 : memref<8x8x128xf32, #tpu.memory_space<vmem>>[vector<16xi32>, vector<16xi32>, vector<16xi32>], vector<16xf32>,
        tpu.vector_store_idx %arg11[%shift_right_arithmetic3A_175, %and3A_196, %add3A_230], %add3A_255 : memref<8x8x128xf32, #tpu.memory_space<vmem>>[vector<16xi32>, vector<16xi32>, vector<16xi32>], vector<16xf32>,
        tpu.vector_store_idx %arg11[%shift_right_arithmetic3A_181, %and3A_196, %add3A_230], %add3A_257 : memref<8x8x128xf32, #tpu.memory_space<vmem>>[vector<16xi32>, vector<16xi32>, vector<16xi32>], vector<16xf32>,
        tpu.vector_store_idx %arg11[%shift_right_arithmetic3A_175, %and3A_196, %add3A_233], %add3A_259 : memref<8x8x128xf32, #tpu.memory_space<vmem>>[vector<16xi32>, vector<16xi32>, vector<16xi32>], vector<16xf32>,
        tpu.vector_store_idx %arg11[%shift_right_arithmetic3A_181, %and3A_196, %add3A_233], %add3A_261 : memref<8x8x128xf32, #tpu.memory_space<vmem>>[vector<16xi32>, vector<16xi32>, vector<16xi32>], vector<16xf32>,
        tpu.vector_store_idx %arg11[%shift_right_arithmetic3A_175, %and3A_196, %add3A_236], %add3A_263 : memref<8x8x128xf32, #tpu.memory_space<vmem>>[vector<16xi32>, vector<16xi32>, vector<16xi32>], vector<16xf32>,
        tpu.vector_store_idx %arg11[%shift_right_arithmetic3A_181, %and3A_196, %add3A_236], %add3A_265 : memref<8x8x128xf32, #tpu.memory_space<vmem>>[vector<16xi32>, vector<16xi32>, vector<16xi32>], vector<16xf32>,
        tpu.vector_store_idx %arg11[%shift_right_arithmetic3A_175, %and3A_196, %add3A_239], %add3A_267 : memref<8x8x128xf32, #tpu.memory_space<vmem>>[vector<16xi32>, vector<16xi32>, vector<16xi32>], vector<16xf32>,
        tpu.vector_store_idx %arg11[%shift_right_arithmetic3A_181, %and3A_196, %add3A_239], %add3A_269 : memref<8x8x128xf32, #tpu.memory_space<vmem>>[vector<16xi32>, vector<16xi32>, vector<16xi32>], vector<16xf32>,
        tpu.vector_store_idx %arg11[%shift_right_arithmetic3A_175, %and3A_196, %add3A_242], %add3A_271 : memref<8x8x128xf32, #tpu.memory_space<vmem>>[vector<16xi32>, vector<16xi32>, vector<16xi32>], vector<16xf32>,
        tpu.vector_store_idx %arg11[%shift_right_arithmetic3A_181, %and3A_196, %add3A_242], %add3A_273 : memref<8x8x128xf32, #tpu.memory_space<vmem>>[vector<16xi32>, vector<16xi32>, vector<16xi32>], vector<16xf32>,
        %gather3A_274 = tpu.vector_load_idx %arg9[%add3A_221, %add3A_166] : memref<128x64xf32, #tpu.memory_space<vmem>>[vector<16xi32>, vector<16xi32>], vector<16xf32>,
        %add3A_275 = arith.addf %gather3A_274, %get3A_154 : vector<16xf32>
        %gather3A_276 = tpu.vector_load_idx %arg9[%add3A_221, %add3A_169] : memref<128x64xf32, #tpu.memory_space<vmem>>[vector<16xi32>, vector<16xi32>], vector<16xf32>,
        %add3A_277 = arith.addf %gather3A_276, %get3A_157 : vector<16xf32>
        %gather3A_278 = tpu.vector_load_idx %arg9[%add3A_224, %add3A_166] : memref<128x64xf32, #tpu.memory_space<vmem>>[vector<16xi32>, vector<16xi32>], vector<16xf32>,
        %add3A_279 = arith.addf %gather3A_278, %get3A_154 : vector<16xf32>
        %gather3A_280 = tpu.vector_load_idx %arg9[%add3A_224, %add3A_169] : memref<128x64xf32, #tpu.memory_space<vmem>>[vector<16xi32>, vector<16xi32>], vector<16xf32>,
        %add3A_281 = arith.addf %gather3A_280, %get3A_157 : vector<16xf32>
        %gather3A_282 = tpu.vector_load_idx %arg9[%add3A_227, %add3A_166] : memref<128x64xf32, #tpu.memory_space<vmem>>[vector<16xi32>, vector<16xi32>], vector<16xf32>,
        %add3A_283 = arith.addf %gather3A_282, %get3A_154 : vector<16xf32>
        %gather3A_284 = tpu.vector_load_idx %arg9[%add3A_227, %add3A_169] : memref<128x64xf32, #tpu.memory_space<vmem>>[vector<16xi32>, vector<16xi32>], vector<16xf32>,
        %add3A_285 = arith.addf %gather3A_284, %get3A_157 : vector<16xf32>
        %gather3A_286 = tpu.vector_load_idx %arg9[%add3A_230, %add3A_166] : memref<128x64xf32, #tpu.memory_space<vmem>>[vector<16xi32>, vector<16xi32>], vector<16xf32>,
        %add3A_287 = arith.addf %gather3A_286, %get3A_154 : vector<16xf32>
        %gather3A_288 = tpu.vector_load_idx %arg9[%add3A_230, %add3A_169] : memref<128x64xf32, #tpu.memory_space<vmem>>[vector<16xi32>, vector<16xi32>], vector<16xf32>,
        %add3A_289 = arith.addf %gather3A_288, %get3A_157 : vector<16xf32>
        %gather3A_290 = tpu.vector_load_idx %arg9[%add3A_233, %add3A_166] : memref<128x64xf32, #tpu.memory_space<vmem>>[vector<16xi32>, vector<16xi32>], vector<16xf32>,
        %add3A_291 = arith.addf %gather3A_290, %get3A_154 : vector<16xf32>
        %gather3A_292 = tpu.vector_load_idx %arg9[%add3A_233, %add3A_169] : memref<128x64xf32, #tpu.memory_space<vmem>>[vector<16xi32>, vector<16xi32>], vector<16xf32>,
        %add3A_293 = arith.addf %gather3A_292, %get3A_157 : vector<16xf32>
        %gather3A_294 = tpu.vector_load_idx %arg9[%add3A_236, %add3A_166] : memref<128x64xf32, #tpu.memory_space<vmem>>[vector<16xi32>, vector<16xi32>], vector<16xf32>,
        %add3A_295 = arith.addf %gather3A_294, %get3A_154 : vector<16xf32>
        %gather3A_296 = tpu.vector_load_idx %arg9[%add3A_236, %add3A_169] : memref<128x64xf32, #tpu.memory_space<vmem>>[vector<16xi32>, vector<16xi32>], vector<16xf32>,
        %add3A_297 = arith.addf %gather3A_296, %get3A_157 : vector<16xf32>
        %gather3A_298 = tpu.vector_load_idx %arg9[%add3A_239, %add3A_166] : memref<128x64xf32, #tpu.memory_space<vmem>>[vector<16xi32>, vector<16xi32>], vector<16xf32>,
        %add3A_299 = arith.addf %gather3A_298, %get3A_154 : vector<16xf32>
        %gather3A_300 = tpu.vector_load_idx %arg9[%add3A_239, %add3A_169] : memref<128x64xf32, #tpu.memory_space<vmem>>[vector<16xi32>, vector<16xi32>], vector<16xf32>,
        %add3A_301 = arith.addf %gather3A_300, %get3A_157 : vector<16xf32>
        %gather3A_302 = tpu.vector_load_idx %arg9[%add3A_242, %add3A_166] : memref<128x64xf32, #tpu.memory_space<vmem>>[vector<16xi32>, vector<16xi32>], vector<16xf32>,
        %add3A_303 = arith.addf %gather3A_302, %get3A_154 : vector<16xf32>
        %gather3A_304 = tpu.vector_load_idx %arg9[%add3A_242, %add3A_169] : memref<128x64xf32, #tpu.memory_space<vmem>>[vector<16xi32>, vector<16xi32>], vector<16xf32>,
        %add3A_305 = arith.addf %gather3A_304, %get3A_157 : vector<16xf32>
        tpu.vector_store_idx %arg11[%shift_right_arithmetic3A_187, %and3A_196, %add3A_221], %add3A_275 : memref<8x8x128xf32, #tpu.memory_space<vmem>>[vector<16xi32>, vector<16xi32>, vector<16xi32>], vector<16xf32>,
        tpu.vector_store_idx %arg11[%shift_right_arithmetic3A_193, %and3A_196, %add3A_221], %add3A_277 : memref<8x8x128xf32, #tpu.memory_space<vmem>>[vector<16xi32>, vector<16xi32>, vector<16xi32>], vector<16xf32>,
        tpu.vector_store_idx %arg11[%shift_right_arithmetic3A_187, %and3A_196, %add3A_224], %add3A_279 : memref<8x8x128xf32, #tpu.memory_space<vmem>>[vector<16xi32>, vector<16xi32>, vector<16xi32>], vector<16xf32>,
        tpu.vector_store_idx %arg11[%shift_right_arithmetic3A_193, %and3A_196, %add3A_224], %add3A_281 : memref<8x8x128xf32, #tpu.memory_space<vmem>>[vector<16xi32>, vector<16xi32>, vector<16xi32>], vector<16xf32>,
        tpu.vector_store_idx %arg11[%shift_right_arithmetic3A_187, %and3A_196, %add3A_227], %add3A_283 : memref<8x8x128xf32, #tpu.memory_space<vmem>>[vector<16xi32>, vector<16xi32>, vector<16xi32>], vector<16xf32>,
        tpu.vector_store_idx %arg11[%shift_right_arithmetic3A_193, %and3A_196, %add3A_227], %add3A_285 : memref<8x8x128xf32, #tpu.memory_space<vmem>>[vector<16xi32>, vector<16xi32>, vector<16xi32>], vector<16xf32>,
        tpu.vector_store_idx %arg11[%shift_right_arithmetic3A_187, %and3A_196, %add3A_230], %add3A_287 : memref<8x8x128xf32, #tpu.memory_space<vmem>>[vector<16xi32>, vector<16xi32>, vector<16xi32>], vector<16xf32>,
        tpu.vector_store_idx %arg11[%shift_right_arithmetic3A_193, %and3A_196, %add3A_230], %add3A_289 : memref<8x8x128xf32, #tpu.memory_space<vmem>>[vector<16xi32>, vector<16xi32>, vector<16xi32>], vector<16xf32>,
        tpu.vector_store_idx %arg11[%shift_right_arithmetic3A_187, %and3A_196, %add3A_233], %add3A_291 : memref<8x8x128xf32, #tpu.memory_space<vmem>>[vector<16xi32>, vector<16xi32>, vector<16xi32>], vector<16xf32>,
        tpu.vector_store_idx %arg11[%shift_right_arithmetic3A_193, %and3A_196, %add3A_233], %add3A_293 : memref<8x8x128xf32, #tpu.memory_space<vmem>>[vector<16xi32>, vector<16xi32>, vector<16xi32>], vector<16xf32>,
        tpu.vector_store_idx %arg11[%shift_right_arithmetic3A_187, %and3A_196, %add3A_236], %add3A_295 : memref<8x8x128xf32, #tpu.memory_space<vmem>>[vector<16xi32>, vector<16xi32>, vector<16xi32>], vector<16xf32>,
        tpu.vector_store_idx %arg11[%shift_right_arithmetic3A_193, %and3A_196, %add3A_236], %add3A_297 : memref<8x8x128xf32, #tpu.memory_space<vmem>>[vector<16xi32>, vector<16xi32>, vector<16xi32>], vector<16xf32>,
        tpu.vector_store_idx %arg11[%shift_right_arithmetic3A_187, %and3A_196, %add3A_239], %add3A_299 : memref<8x8x128xf32, #tpu.memory_space<vmem>>[vector<16xi32>, vector<16xi32>, vector<16xi32>], vector<16xf32>,
        tpu.vector_store_idx %arg11[%shift_right_arithmetic3A_193, %and3A_196, %add3A_239], %add3A_301 : memref<8x8x128xf32, #tpu.memory_space<vmem>>[vector<16xi32>, vector<16xi32>, vector<16xi32>], vector<16xf32>,
        tpu.vector_store_idx %arg11[%shift_right_arithmetic3A_187, %and3A_196, %add3A_242], %add3A_303 : memref<8x8x128xf32, #tpu.memory_space<vmem>>[vector<16xi32>, vector<16xi32>, vector<16xi32>], vector<16xf32>,
        tpu.vector_store_idx %arg11[%shift_right_arithmetic3A_193, %and3A_196, %add3A_242], %add3A_305 : memref<8x8x128xf32, #tpu.memory_space<vmem>>[vector<16xi32>, vector<16xi32>, vector<16xi32>], vector<16xf32>,
      }
      %scan3A_202 = arith.constant 16 : i32
      %dma_start3A_203 = arith.constant 0 : i32
      %dma_start3A_204 = arith.constant 0 : i32
      %dma_start3A_205 = arith.constant 0 : i32
      %dma_start3A_206 = tpu.memref_slice %arg5[%add3A_127, %dma_start3A_203, %add3A, %dma_start3A_204, %dma_start3A_205] : memref<200x8x32x8x128xf32, #tpu.memory_space<hbm>> -> memref<1x8x1x8x128xf32, #tpu.memory_space<hbm>>
      %dma_start3A_207 = tpu.memref_squeeze %dma_start3A_206 : memref<1x8x1x8x128xf32, #tpu.memory_space<hbm>> -> memref<8x8x128xf32, #tpu.memory_space<hbm>>
      %dma_start3A_208 = arith.constant 0 : i32
      %dma_start3A_209 = arith.constant 0 : i32
      %dma_start3A_210 = arith.constant 0 : i32
      %dma_start3A_211 = tpu.memref_slice %arg5[%add3A_127, %dma_start3A_208, %add3A, %dma_start3A_209, %dma_start3A_210] : memref<200x8x32x8x128xf32, #tpu.memory_space<hbm>> -> memref<1x8x1x8x128xf32, #tpu.memory_space<hbm>>
      %dma_start3A_212 = tpu.memref_squeeze %dma_start3A_211 : memref<1x8x1x8x128xf32, #tpu.memory_space<hbm>> -> memref<8x8x128xf32, #tpu.memory_space<hbm>>
      tpu.enqueue_dma source(%arg11 : memref<8x8x128xf32, #tpu.memory_space<vmem>>) target(%dma_start3A_212 : memref<8x8x128xf32, #tpu.memory_space<hbm>>) target_semaphore(%arg15 : memref<!tpu.dma_semaphore, #tpu.memory_space<semaphore_mem>>)
    }
    %scan3A_19 = arith.constant 100 : i32
    %dma_wait3A = arith.constant 198 : i32
    %dma_wait3A_20 = arith.constant 0 : i32
    %dma_wait3A_21 = arith.constant 0 : i32
    %dma_wait3A_22 = arith.constant 0 : i32
    %dma_wait3A_23 = tpu.memref_slice %arg5[%dma_wait3A, %dma_wait3A_20, %add3A, %dma_wait3A_21, %dma_wait3A_22] : memref<200x8x32x8x128xf32, #tpu.memory_space<hbm>> -> memref<1x8x1x8x128xf32, #tpu.memory_space<hbm>>
    %dma_wait3A_24 = tpu.memref_squeeze %dma_wait3A_23 : memref<1x8x1x8x128xf32, #tpu.memory_space<hbm>> -> memref<8x8x128xf32, #tpu.memory_space<hbm>>
    %dma_wait3A_25 = arith.constant 0 : i32
    %dma_wait3A_26 = arith.constant 0 : i32
    %dma_wait3A_27 = arith.constant 0 : i32
    %dma_wait3A_28 = tpu.memref_slice %arg5[%dma_wait3A, %dma_wait3A_25, %add3A, %dma_wait3A_26, %dma_wait3A_27] : memref<200x8x32x8x128xf32, #tpu.memory_space<hbm>> -> memref<1x8x1x8x128xf32, #tpu.memory_space<hbm>>
    %dma_wait3A_29 = tpu.memref_squeeze %dma_wait3A_28 : memref<1x8x1x8x128xf32, #tpu.memory_space<hbm>> -> memref<8x8x128xf32, #tpu.memory_space<hbm>>
    tpu.wait_dma2 semaphore(%arg14 : memref<!tpu.dma_semaphore, #tpu.memory_space<semaphore_mem>>) src(%arg10 : memref<8x8x128xf32, #tpu.memory_space<vmem>>) dst(%dma_wait3A_29 : memref<8x8x128xf32, #tpu.memory_space<hbm>>)
    %dma_wait3A_30 = arith.constant 199 : i32
    %dma_wait3A_31 = arith.constant 0 : i32
    %dma_wait3A_32 = arith.constant 0 : i32
    %dma_wait3A_33 = arith.constant 0 : i32
    %dma_wait3A_34 = tpu.memref_slice %arg5[%dma_wait3A_30, %dma_wait3A_31, %add3A, %dma_wait3A_32, %dma_wait3A_33] : memref<200x8x32x8x128xf32, #tpu.memory_space<hbm>> -> memref<1x8x1x8x128xf32, #tpu.memory_space<hbm>>
    %dma_wait3A_35 = tpu.memref_squeeze %dma_wait3A_34 : memref<1x8x1x8x128xf32, #tpu.memory_space<hbm>> -> memref<8x8x128xf32, #tpu.memory_space<hbm>>
    %dma_wait3A_36 = arith.constant 0 : i32
    %dma_wait3A_37 = arith.constant 0 : i32
    %dma_wait3A_38 = arith.constant 0 : i32
    %dma_wait3A_39 = tpu.memref_slice %arg5[%dma_wait3A_30, %dma_wait3A_36, %add3A, %dma_wait3A_37, %dma_wait3A_38] : memref<200x8x32x8x128xf32, #tpu.memory_space<hbm>> -> memref<1x8x1x8x128xf32, #tpu.memory_space<hbm>>
    %dma_wait3A_40 = tpu.memref_squeeze %dma_wait3A_39 : memref<1x8x1x8x128xf32, #tpu.memory_space<hbm>> -> memref<8x8x128xf32, #tpu.memory_space<hbm>>
    tpu.wait_dma2 semaphore(%arg15 : memref<!tpu.dma_semaphore, #tpu.memory_space<semaphore_mem>>) src(%arg11 : memref<8x8x128xf32, #tpu.memory_space<vmem>>) dst(%dma_wait3A_40 : memref<8x8x128xf32, #tpu.memory_space<hbm>>)
    return
  }
}

</mosaic_0001>

<sc_bundles>
// kernel: _embed.3.cloned.1.call-start
scs
__scs_entry_jumppad:
0x0: {  	(pc) =	sbr.rel $0x88, $3  }
0x1: {  	(tag) =	ssettag $0x0;
	lr =	simm.s32 $0x1  }
0x2: {  	[smem:$0x3F9E] =	sst lr;
	_ =	strace $0xD0000000  }
0x3: {  	_ = 	snop  }
0x4: {  	_ = 	snop  }
0x5: {  	_ = 	snop  }
0x6: {  	_ = 	snop  }
0x7: {  	_ = 	snop  }
__scs_overlays_trampoline_lowered:
0x8: {  	[smem:$0x3FAD] =	sst s0  }
0x9: {  	[smem:$0x3FAE] =	sst s1  }
0xa: {  	[smem:$0x3FAF] =	sst s2  }
0xb: {  	[smem:$0x3FB0] =	sst s3  }
0xc: {  	[smem:$0x3FB1] =	sst s4  }
0xd: {  	[smem:$0x3FB2] =	sst s5  }
0xe: {  	[smem:$0x3FB3] =	sst s6  }
0xf: {  	[smem:$0x3FB4] =	sst s7  }
0x10: {  	[smem:$0x3FB5] =	sst s8  }
0x11: {  	[smem:$0x3FB6] =	sst s9;
	s0 =	simm.s32 @!p0 $0x0  }
0x12: {  	s1 =	sld [smem:$0x3F9C];
	s0 =	simm.s32 @p0 $0x1  }
0x13: {  	[smem:$0x3FB7] =	sst s0;
	s0 =	simm.s32 @!p1 $0x0  }
0x14: {  	s2 =	sld [smem:$0x3F9B];
	s0 =	simm.s32 @p1 $0x1  }
0x15: {  	[smem:$0x3FB8] =	sst s0;
	s0 =	simm.s32 @!p2 $0x0  }
0x16: {  	s3 =	sld [smem:$0x3FDB];
	s0 =	simm.s32 @p2 $0x1  }
0x17: {  	s4 =	simm.s32 $0x1BF5;
	[smem:$0x3FBA] =	sst s0  }
0x18: {  	s0 =	sld [smem:$0x3F9D];
	_ =	swait.ge [sflag:s4], $0x0  }
0x19: {  	s7 =	sld [smem:$0x3F9E]  }
0x1a: {  	s8 =	sadd.s32 $0xFFFFE003, lr  }
0x1b: {  	s9 =	sadd.s32 $0xFFFFFEF7, lr;
	s5 =	simm.s32 $0xFFFFFFFF;
	p2 =	slt.u32 s8, $0xFFFFF086  }
0x1c: {  	p1 =	slt.u32 s9, $0xF7A;
	s5 =	simm.s32 @!p2 $0x0  }
0x1d: {  	s5 =	simm.s32 @p1 $0x1;
	p0 =	seq.s32 s7, s2  }
0x1e: {  	s7 =	smul.u32 @!p0 $0xF7A, s2;
	p2 =	seq.s32 @!p0 s5, $0x0  }
0x1f: {  	s9 =	smul.u32 $0xF7A, s1;
	s8 =	simm.s32 @!p0 $0x1BF5;
	p2 =	por !p2, p0  }
0x20: {  	[sflag:s8] =	ssyncset.s32 @!p0 $0xFFFFF086;
	s6 =	sadd.s32 @!p0 s3, s7;
	s7 =	simm.s32 @!p0 $0x108  }
0x21: {  	s3 =	sadd.s32 s3, s9;
	s6 =	sadd.s32 @!p0 $0x88, s6;
	s7 =	simm.s32 @p2 $0x1082  }
0x22: {  	[simem:s7], [sflag:s8] =	dma.local @!p0 [hbm:s6], $0xF7A  }
0x23: {  	s9 =	sor.u32 $0xD0000000, s2;
	s6 =	simm.s32 $0x108;
	_ =	swait.ge @!p0 [sflag:s8], $0x0  }
0x24: {  	s3 =	sadd.s32 $0x88, s3;
	s6 =	simm.s32 @!p1 $0x1082;
	[sflag:s4] =	ssyncset.s32 $0xFFFFF086  }
0x25: {  	[simem:s6], [sflag:s4] =	dma.local [hbm:s3], $0xF7A  }
0x26: {  	[smem:$0x3F9E] =	sst s1;
	(tag) =	ssettag s2;
	_ =	strace s9  }
0x27: {  	s1 =	sld [smem:$0x3FAE]  }
0x28: {  	s2 =	sld [smem:$0x3FAF]  }
0x29: {  	s4 =	sld [smem:$0x3FB1]  }
0x2a: {  	p0 =	seq.s32 s5, $0x0;
	s5 =	sld [smem:$0x3FB2]  }
0x2b: {  	s6 =	sld [smem:$0x3FB3]  }
0x2c: {  	s7 =	sld [smem:$0x3FB4]  }
0x2d: {  	s3 =	simm.s32 $0x108;
	s8 =	sld [smem:$0x3FB5]  }
0x2e: {  	s3 =	simm.s32 @!p0 $0x1082;
	s9 =	sld [smem:$0x3FB6]  }
0x2f: {  	lr =	sadd.s32 s0, s3;
	s0 =	sld [smem:$0x3FAD]  }
0x30: {  	s3 =	sld [smem:$0x3FB0]  }
0x31: {  	[smem:$0x3FB9] =	sst s10  }
0x32: {  	s10 =	sld [smem:$0x3FB7];
	_ =	sdelay $0x3  }
0x33: {  	p0 =	seq.s32 s10, $0x1;
	s10 =	sld [smem:$0x3FB9];
	_ =	sdelay $0x3  }
0x34: {  	[smem:$0x3FB9] =	sst s10  }
0x35: {  	s10 =	sld [smem:$0x3FB8];
	_ =	sdelay $0x3  }
0x36: {  	p1 =	seq.s32 s10, $0x1;
	s10 =	sld [smem:$0x3FB9];
	_ =	sdelay $0x3  }
0x37: {  	[smem:$0x3FB9] =	sst s10  }
0x38: {  	s10 =	sld [smem:$0x3FBA]  }
0x39: {  	_ = 	snop;
	(pc) =	sbr.ind lr, $3  }
0x3a: {  	_ = 	snop  }
0x3b: {  	_ = 	snop  }
0x3c: {  	p2 =	seq.s32 s10, $0x1;
	s10 =	sld [smem:$0x3FB9]  }
0x3d: {  	_ =	shalt  }
0x3e: {  	_ =	shalt  }
0x3f: {  	_ =	shalt  }
0x40: {  	_ =	shalt  }
0x41: {  	_ =	shalt  }
0x42: {  	_ =	shalt  }
0x43: {  	_ =	shalt  }
0x44: {  	_ =	shalt  }
0x45: {  	_ =	shalt  }
0x46: {  	_ =	shalt  }
0x47: {  	_ =	shalt  }
0x48: {  	_ =	shalt  }
0x49: {  	_ =	shalt  }
0x4a: {  	_ =	shalt  }
0x4b: {  	_ =	shalt  }
0x4c: {  	_ =	shalt  }
0x4d: {  	_ =	shalt  }
0x4e: {  	_ =	shalt  }
0x4f: {  	_ =	shalt  }
0x50: {  	_ =	shalt  }
0x51: {  	_ =	shalt  }
0x52: {  	_ =	shalt  }
0x53: {  	_ =	shalt  }
0x54: {  	_ =	shalt  }
0x55: {  	_ =	shalt  }
0x56: {  	_ =	shalt  }
0x57: {  	_ =	shalt  }
0x58: {  	_ =	shalt  }
0x59: {  	_ =	shalt  }
0x5a: {  	_ =	shalt  }
0x5b: {  	_ =	shalt  }
0x5c: {  	_ =	shalt  }
0x5d: {  	_ =	shalt  }
0x5e: {  	_ =	shalt  }
0x5f: {  	_ =	shalt  }
0x60: {  	_ =	shalt  }
0x61: {  	_ =	shalt  }
0x62: {  	_ =	shalt  }
0x63: {  	_ =	shalt  }
0x64: {  	_ =	shalt  }
0x65: {  	_ =	shalt  }
0x66: {  	_ =	shalt  }
0x67: {  	_ =	shalt  }
0x68: {  	_ =	shalt  }
0x69: {  	_ =	shalt  }
0x6a: {  	_ =	shalt  }
0x6b: {  	_ =	shalt  }
0x6c: {  	_ =	shalt  }
0x6d: {  	_ =	shalt  }
0x6e: {  	_ =	shalt  }
0x6f: {  	_ =	shalt  }
0x70: {  	_ =	shalt  }
0x71: {  	_ =	shalt  }
0x72: {  	_ =	shalt  }
0x73: {  	_ =	shalt  }
0x74: {  	_ =	shalt  }
0x75: {  	_ =	shalt  }
0x76: {  	_ =	shalt  }
0x77: {  	_ =	shalt  }
0x78: {  	_ =	shalt  }
0x79: {  	_ =	shalt  }
0x7a: {  	_ =	shalt  }
0x7b: {  	_ =	shalt  }
0x7c: {  	_ =	shalt  }
0x7d: {  	_ =	shalt  }
0x7e: {  	_ =	shalt  }
0x7f: {  	_ =	shalt  }
0x80: {  	_ =	shalt  }
0x81: {  	_ =	shalt  }
0x82: {  	_ =	shalt  }
0x83: {  	_ =	shalt  }
0x84: {  	_ =	shalt  }
0x85: {  	_ =	shalt  }
0x86: {  	_ =	shalt  }
0x87: {  	_ =	shalt  }
.Lfunc_end0:
.L_simem_size_0:
called_computation_lowered:
.L_overlay_start_0:
0x88: {  	s2 =	sld [smem:$0x3FD9]  }
0x89: {  	s3 =	sld [smem:$0x3FFE];
	_ =	sdelay $0x1  }
0x8a: {  	s1 =	srdreg.scid  }
0x8b: {  	s0 =	sand.u32 $0x1, s1  }
0x8c: {  	s17 =	sshll.u32 s0, $0xA;
	s2 =	sadd.s32 s3, s2  }
0x8d: {  	s2 =	sadd.s32 s2, s17  }
0x8e: {  	[smem:$0x3FC5] =	sst s2  }
0x8f: {  	_ = 	snop  }
0x90: {  	s2 =	sld [smem:$0x3FD0];
	(tm) =	ssettm $0x1  }
0x91: {  	s18 =	sld [smem:$0x3FFB];
	_ =	sdelay $0x3  }
0x92: {  	_ =	strace s18  }
0x93: {  	s3 =	sld [smem:$0x3FFC];
	_ =	sdelay $0x3  }
0x94: {  	_ =	strace s3  }
0x95: {  	s3 =	sld [smem:$0x3FFD];
	_ =	sdelay $0x3  }
0x96: {  	_ =	strace s3  }
0x97: {  	_ =	strace $0x8FFFFFFF  }
0x98: {  	s19 =	sld [smem:$0x3FDB];
	_ =	sdelay $0x1  }
0x99: {  	s4 =	simm.s32 $_scs_section_size  }
0x9a: {  	s5 =	simm.s32 $_size__tile_overlayer_lowered;
	s6 =	simm.s32 $_tile_overlayer_lowered  }
0x9b: {  	s22 =	simm.s32 $0x1BFF;
	s21 =	sshll.u32 s6, $0x1;
	s3 =	sadd.s32 s4, s19  }
0x9c: {  	s7 =	simm.s32 $0x0;
	s20 =	sshll.u32 s5, $0x1;
	s5 =	sadd.s32 s21, s3  }
0x9d: {  	[timem:s7], [sflag:s22] =	dma.local [hbm:s5], s20  }
0x9e: {  	_ =	swait.ge [sflag:s22], s20  }
0x9f: {  	s4 =	ssub.s32 $0x0, s20;
	[sflag:s22] =	ssyncset.done $0x0  }
0xa0: {  	[sflag:s22] =	ssyncadd.s32 s4;
	_ =	sdelay $0x1  }
0xa1: {  	s23 =	simm.s32 $0x1B8B  }
0xa2: {  	_ =	swait.ge [sflag:s23], $0x1  }
0xa3: {  	[sflag:s23] =	ssyncset.done $0x0  }
0xa4: {  	s25 =	simm.s32 $0x1B8E;
	s24 =	sld [smem:$0x3FFE];
	[sflag:s23] =	ssyncadd.s32 $0xFFFFFFFF  }
0xa5: {  	s26 =	simm.s32 $execute0_lowered;
	[smem:$0x3FD2] =	sst s25  }
0xa6: {  	s5 =	sshll.u32 s26, $0x1;
	_ =	strace $0x80000046;
	[dreg:$0x1] =	wrdreg $0xFFFFFFFF  }
0xa7: {  	s28 =	simm.s32 $_size_execute0_lowered;
	s3 =	sadd.s32 s3, s5;
	[dreg:$0x0] =	wrdreg $0x0  }
0xa8: {  	s5 =	sshll.u32 s28, $0x1;
	[dreg:$0x2] =	wrdreg s3  }
0xa9: {  	[dreg:$0x3] =	wrdreg s5  }
0xaa: {  	[dreg:$0x4] =	wrdreg $0xC0  }
0xab: {  	_ =	task [dreg:s7], $0x5FFFF  }
0xac: {  	[dreg:$0x1] =	wrdreg $0xFFFFFFFF  }
0xad: {  	[dreg:$0x0] =	wrdreg $0x60  }
0xae: {  	[dreg:$0x2] =	wrdreg s24  }
0xaf: {  	[dreg:$0x3] =	wrdreg s2  }
0xb0: {  	[dreg:$0x4] =	wrdreg $0x9  }
0xb1: {  	_ =	task.clear_ibuf [dreg:s7], $0x5FFFF;
	_ =	strace $0x90000046  }
0xb2: {  	s29 =	simm.s32 $0x9;
	_ =	strace $0x80000048  }
0xb3: {  	_ =	swait.ge [sflag:s29], $0x1  }
0xb4: {  	[sflag:s29] =	ssyncadd.s32 $0xFFFFFFFF  }
0xb5: {  	_ =	strace $0x90000048  }
0xb6: {  	_ =	sfence  }
0xb7: {  	s30 =	sld [smem:$0x0];
	_ =	sdelay $0x2  }
0xb8: {  	s31 =	sshll.u32 s1, $0xD;
	s1 =	sshrl.u32 s1, $0x2  }
0xb9: {  	s3 =	sand.u32 $0x4000, s31;
	s1 =	sadd.s32 s1, s30  }
0xba: {  	s0 =	sor.u32 s3, s0;
	s1 =	sshll.u32 s1, $0x11  }
0xbb: {  	s0 =	sor.u32 s1, s0  }
0xbc: {  	s0 =	sadd.s32 $0x8F2B, s0  }
0xbd: {  	[sflag:s0] =	ssyncadd.remote.s32 $0x1  }
0xbe: {  	_ =	sfence.sel $0xFFFF  }
0xbf: {  	[dreg:$0x0] =	wrdreg $0xFFFFFFFF;
	(pc) =	sbr.abs _section_cstart, $3  }
0xc0: {  	[dreg:$0x1] =	wrdreg $0xFFFFFFFF  }
0xc1: {  	_ =	task.clear_ibuf [dreg:s7], $0x2FFFF;
	_ =	strace $0x9FFFFFFF  }
0xc2: {  	(tm) =	ssettm $0x7FFFFFFF  }
0xc3: {  	_ =	shalt  }
tec
execute0_lowered:
.L_overlay_start_1:
0x0: {  	(tag) =	ssettag $0x1  }
0x1: {  	s5 =	rddreg [dreg:$0x0]  }
0x2: {  	s1 =	srdreg.scid;
	s0 =	stileid.u32  }
0x3: {  	s2 =	rddreg [dreg:$0x1];
	s3 =	simm.s32 $0x0;
	s10 =	simm.s32 $0x1000  }
0x4: {  	s11 =	simm.s32 $0x5;
	s12 =	simm.s32 $0x6400;
	s13 =	simm.s32 $0x9600  }
0x5: {  	s14 =	simm.s32 $0xB600;
	s15 =	simm.s32 $0x1;
	s16 =	simm.s32 $0xD600  }
0x6: {  	s17 =	simm.s32 $0x400;
	s18 =	simm.s32 $0x8000;
	s19 =	simm.s32 $0x2  }
0x7: {  	s20 =	simm.s32 $0x4;
	s21 =	simm.s32 $0xF600;
	s22 =	simm.s32 $0x3  }
0x8: {  	s4 =	sand.u32 $0x1, s1;
	s6 =	sshll.u32 s0, $0x1;
	s1 =	rddreg [dreg:$0x2]  }
0x9: {  	s23 =	simm.s32 $0x0;
	[smem:$0x7FF] =	sst s3;
	s7 =	sor.u32 s4, s6  }
0xa: {  	v0 =	vlaneseq.u32;
	s8 =	ssub.s32 $0x2, s4;
	_ =	strace $0x80000047;
	s4 =	sadd.s32 $0xF50800, s5  }
0xb: {  	v2 =	vimm.s32 $0x0;
	v1 =	vmul.u32 $0x80, v0;
	s6 =	sshll.u32 s7, $0x4;
	s9 =	sshrl.u32 s8, $0x1;
	s7 =	sshll.u32 s7, $0xA  }
0xc: {  	v3 =	vor.u32 $0x10, v0;
	v5 =	vor.u32 $0x20, v0;
	v6 =	vor.u32 $0x30, v0;
	s6 =	sadd.s32 s6, s5;
	s5 =	sadd.s32 $0x19800, s5;
	s8 =	ssub.s32 s8, s9  }
0xd: {  	v4 =	vor.u32 $0x800, v1;
	v7 =	vor.u32 $0x1000, v1;
	v8 =	vor.u32 $0x1800, v1;
	s9 =	simm.s32 $0x80;
	s6 =	sadd.s32 $0x800, s6;
	s8 =	smax.u32 s8, $0x1  }
.LBB2_1:
0xe: {  	[tilespmem:s3], [sflag:$0x5] =	stream.strided.gather [hbm4b:s6+s9], $0x6400, s10, s9, $0x38;
	[tilespmem:$0x11600] =	vst v63  }
0xf: {  	_ =	swait.ge [sflag:s11], $0x6400  }
0x10: {  	[sflag:s11] =	ssyncset.done $0x0  }
0x11: {  	[sflag:s11] =	ssyncadd.s32 $0xFFFF9C00  }
0x12: {  	[tilespmem:s12], [sflag:$0x5] =	stream.linear.gather [hbm4b:s5+s3], $0x3200, $0x38;
	[tilespmem:$0x11600] =	vst v63  }
0x13: {  	_ =	swait.ge [sflag:s11], $0x3200  }
0x14: {  	[sflag:s11] =	ssyncset.done $0x0  }
0x15: {  	s25 =	simm.s32 $0x0;
	[sflag:s11] =	ssyncadd.s32 $0xFFFFCE00  }
0x16: {  	v9 =	vld [tilespmem:s25+$0x60];
	_ =	sdelay $0x1  }
0x17: {  	v10 =	vld [tilespmem:s25+$0x30];
	_ =	sdelay $0x2  }
0x18: {  	v11 =	vld [tilespmem:s25+$0x50];
	vm0 =	vgt.s32 v9, $0x7A7FF  }
0x19: {  	v12 =	vsel vm0, $0x7FF85800, v2  }
0x1a: {  	v13 =	vld [tilespmem:s25+$0x40];
	vm1 =	vgt.s32 v10, $0x7A7FF;
	v9 =	vadd.s32 v9, v12  }
0x1b: {  	v14 =	vsel vm1, $0x7FF85800, v2;
	v12 =	vsel vm0, $0x1, v2;
	v9 =	vshll.u32 v9, $0x1  }
0x1c: {  	v10 =	vadd.s32 v10, v14;
	v9 =	vor.u32 v12, v9  }
0x1d: {  	vm0 =	vgt.s32 v11, $0x7A7FF;
	[tilespmem:s25+$0x60] =	vst v9;
	v9 =	vshll.u32 v10, $0x1;
	v10 =	vsel vm1, $0x1, v2  }
0x1e: {  	v12 =	vsel vm0, $0x7FF85800, v2;
	v9 =	vor.u32 v10, v9  }
0x1f: {  	s24 =	simm.s32 $0x80;
	vm1 =	vgt.s32 v13, $0x7A7FF;
	[tilespmem:s25+$0x30] =	vst v9;
	v9 =	vadd.s32 v11, v12  }
0x20: {  	v14 =	vsel vm0, $0x1, v2;
	v11 =	vsel vm1, $0x7FF85800, v2;
	v12 =	vld [tilespmem:s24+$0x60];
	v9 =	vshll.u32 v9, $0x1  }
0x21: {  	v10 =	vld [tilespmem:s25+$0x10];
	v11 =	vadd.s32 v13, v11;
	v9 =	vor.u32 v14, v9  }
0x22: {  	v13 =	vsel vm1, $0x1, v2;
	v11 =	vshll.u32 v11, $0x1;
	[tilespmem:s25+$0x50] =	vst v9  }
0x23: {  	v9 =	vor.u32 v13, v11;
	v11 =	vld [tilespmem:s24+$0x30]  }
0x24: {  	[tilespmem:s25+$0x40] =	vst v9;
	v9 =	vld [tilespmem:s25+$0x70]  }
0x25: {  	vm0 =	vgt.s32 v12, $0x7A7FF  }
0x26: {  	vm1 =	vgt.s32 v10, $0x7A7FF;
	v13 =	vld [tilespmem:s24+$0x50];
	v14 =	vsel vm0, $0x7FF85800, v2  }
0x27: {  	v15 =	vsel vm1, $0x1, v2;
	v12 =	vadd.s32 v12, v14  }
0x28: {  	v16 =	vsel vm0, $0x1, v2;
	v14 =	vsel vm1, $0x7FF85800, v2;
	v12 =	vshll.u32 v12, $0x1  }
0x29: {  	v10 =	vadd.s32 v10, v14;
	v14 =	vld [tilespmem:s24+$0x40];
	vm0 =	vgt.s32 v11, $0x7A7FF;
	vm1 =	vgt.s32 v9, $0x7A7FF  }
0x2a: {  	v12 =	vor.u32 v16, v12;
	v10 =	vshll.u32 v10, $0x1;
	v16 =	vsel vm0, $0x7FF85800, v2  }
0x2b: {  	vm2 =	vgt.s32 v13, $0x7A7FF;
	[tilespmem:s24+$0x60] =	vst v12;
	v11 =	vadd.s32 v11, v16;
	v10 =	vor.u32 v15, v10  }
0x2c: {  	v15 =	vsel vm0, $0x1, v2;
	v16 =	vsel vm1, $0x7FF85800, v2;
	v12 =	vld [tilespmem:s25+$0x20];
	v11 =	vshll.u32 v11, $0x1;
	[tilespmem:s25+$0x10] =	vst v10  }
0x2d: {  	v10 =	vsel vm2, $0x7FF85800, v2;
	v9 =	vadd.s32 v9, v16;
	v11 =	vor.u32 v15, v11;
	v15 =	vld [tilespmem:s24+$0x10]  }
0x2e: {  	s26 =	simm.s32 $0x100;
	v10 =	vadd.s32 v13, v10;
	v9 =	vshll.u32 v9, $0x1;
	vm0 =	vgt.s32 v14, $0x7A7FF;
	[tilespmem:s24+$0x30] =	vst v11  }
0x2f: {  	v11 =	vsel vm2, $0x1, v2;
	v10 =	vshll.u32 v10, $0x1;
	v13 =	vsel vm0, $0x7FF85800, v2;
	v16 =	vld [tilespmem:s26+$0x60]  }
0x30: {  	v10 =	vor.u32 v11, v10;
	v11 =	vsel vm1, $0x1, v2;
	v13 =	vadd.s32 v14, v13  }
0x31: {  	[tilespmem:s24+$0x50] =	vst v10;
	v9 =	vor.u32 v11, v9;
	v10 =	vshll.u32 v13, $0x1;
	v13 =	vsel vm0, $0x1, v2  }
0x32: {  	v14 =	vld [tilespmem:s26+$0x30];
	[tilespmem:s25+$0x70] =	vst v9;
	vm0 =	vgt.s32 v12, $0x7A7FF;
	v10 =	vor.u32 v13, v10;
	vm1 =	vgt.s32 v15, $0x7A7FF  }
0x33: {  	v9 =	vsel vm0, $0x7FF85800, v2;
	v17 =	vld [tilespmem:s24+$0x70];
	v18 =	vsel vm0, $0x1, v2;
	v13 =	vsel vm1, $0x1, v2  }
0x34: {  	[tilespmem:s24+$0x40] =	vst v10;
	v10 =	vsel vm1, $0x7FF85800, v2;
	v9 =	vadd.s32 v12, v9;
	vm0 =	vgt.s32 v16, $0x7A7FF  }
0x35: {  	v11 =	vadd.s32 v15, v10;
	v10 =	vld [tilespmem:s26+$0x50];
	v9 =	vshll.u32 v9, $0x1;
	v12 =	vsel vm0, $0x7FF85800, v2  }
0x36: {  	v15 =	vshll.u32 v11, $0x1;
	v11 =	vld [tilespmem:s26+$0x40];
	v19 =	vsel vm0, $0x1, v2;
	v12 =	vadd.s32 v16, v12  }
0x37: {  	v9 =	vor.u32 v18, v9;
	vm0 =	vgt.s32 v14, $0x7A7FF;
	v16 =	vshll.u32 v12, $0x1  }
0x38: {  	[tilespmem:s25+$0x20] =	vst v9;
	v12 =	vld [tilespmem:s25+$0x0];
	v63 =	vsel vm0, $0x7FF85800, v2;
	vm2 =	vgt.s32 v17, $0x7A7FF;
	v16 =	vor.u32 v19, v16  }
0x39: {  	v13 =	vor.u32 v13, v15;
	v14 =	vadd.s32 v14, v63;
	[tilespmem:s26+$0x60] =	vst v16;
	v16 =	vsel vm2, $0x7FF85800, v2  }
0x3a: {  	s28 =	simm.s32 $0x600;
	v15 =	vshll.u32 v14, $0x1;
	vm1 =	vgt.s32 v10, $0x7A7FF;
	v9 =	vld [tilespmem:s24+$0x20];
	v14 =	vadd.s32 v17, v16  }
.LBB2_2:
0x3b: {  	s29 =	sshra.s32 s28, $0x2;
	p0 =	sne.s32 s28, $0x18E00;
	s28 =	sadd.s32 $0x200, s28;
	v16 =	vsel vm0, $0x1, v2;
	vm0 =	vgt.s32 v11, $0x7A7FF;
	v17 =	vsel vm2, $0x1, v2  }
0x3c: {  	v15 =	vor.u32 v16, v15;
	v16 =	vsel vm0, $0x7FF85800, v2;
	[tilespmem:s24+$0x10] =	vst v13;
	v13 =	vshll.u32 v14, $0x1  }
0x3d: {  	v14 =	vld [tilespmem:s26+$0x10];
	[tilespmem:s26+$0x30] =	vst v15;
	v11 =	vadd.s32 v11, v16;
	v15 =	vsel vm1, $0x7FF85800, v2;
	vm2 =	vgt.s32 v12, $0x7A7FF  }
0x3e: {  	v11 =	vshll.u32 v11, $0x1;
	v10 =	vadd.s32 v10, v15;
	v15 =	vsel vm2, $0x7FF85800, v2  }
0x3f: {  	v18 =	vsel vm1, $0x1, v2;
	v19 =	vsel vm2, $0x1, v2;
	v16 =	vld [tilespmem:s29+$0x60];
	v10 =	vshll.u32 v10, $0x1  }
0x40: {  	v20 =	vsel vm0, $0x1, v2;
	v12 =	vadd.s32 v12, v15;
	v10 =	vor.u32 v18, v10  }
0x41: {  	vm0 =	vgt.s32 v9, $0x7A7FF;
	v11 =	vor.u32 v20, v11;
	[tilespmem:s26+$0x50] =	vst v10;
	v10 =	vor.u32 v17, v13  }
0x42: {  	v15 =	vsel vm0, $0x7FF85800, v2;
	v12 =	vshll.u32 v12, $0x1;
	v13 =	vld [tilespmem:s29+$0x30];
	vm1 =	vgt.s32 v14, $0x7A7FF;
	[tilespmem:s24+$0x70] =	vst v10  }
0x43: {  	v21 =	vsel vm0, $0x1, v2;
	v17 =	vsel vm1, $0x1, v2;
	v18 =	vsel vm1, $0x7FF85800, v2;
	[tilespmem:s26+$0x40] =	vst v11;
	v20 =	vld [tilespmem:s26+$0x70]  }
0x44: {  	v9 =	vadd.s32 v9, v15;
	v10 =	vld [tilespmem:s29+$0x50];
	vm0 =	vgt.s32 v16, $0x7A7FF;
	v14 =	vadd.s32 v14, v18  }
0x45: {  	v9 =	vshll.u32 v9, $0x1;
	v11 =	vld [tilespmem:s29+$0x40];
	v15 =	vsel vm0, $0x7FF85800, v2;
	v14 =	vshll.u32 v14, $0x1  }
.Ltmp0:
0x46: {  	v12 =	vor.u32 v19, v12;
	v18 =	vsel vm0, $0x1, v2;
	v15 =	vadd.s32 v16, v15;
	(pc) =	sbr.rel @p0 .LBB2_2-.Ltmp0, $4  }
0x47: {  	v9 =	vor.u32 v21, v9;
	vm0 =	vgt.s32 v13, $0x7A7FF;
	v15 =	vshll.u32 v15, $0x1;
	[tilespmem:s25+$0x0] =	vst v12;
	s25 =	smov.u32 s24;
	s24 =	smov.u32 s26;
	s26 =	smov.u32 s29  }
0x48: {  	v16 =	vsel vm0, $0x7FF85800, v2;
	v15 =	vor.u32 v18, v15;
	vm2 =	vgt.s32 v20, $0x7A7FF;
	v12 =	vld [tilespmem:s25+$0x0];
	[tilespmem:s25+$0x20] =	vst v9  }
0x49: {  	v16 =	vadd.s32 v13, v16;
	[tilespmem:s26+$0x60] =	vst v15;
	v13 =	vor.u32 v17, v14;
	v9 =	vld [tilespmem:s24+$0x20];
	v14 =	vsel vm2, $0x7FF85800, v2  }
0x4a: {  	vm1 =	vgt.s32 v10, $0x7A7FF;
	v15 =	vshll.u32 v16, $0x1;
	v14 =	vadd.s32 v20, v14  }
0x4b: {  	v16 =	vsel vm0, $0x1, v2;
	vm8 =	vgt.s32 v11, $0x7A7FF;
	v17 =	vsel vm2, $0x1, v2  }
0x4c: {  	v47 =	vsel vm1, $0x7FF85800, v2;
	v14 =	vshll.u32 v14, $0x1;
	v50 =	vsel vm1, $0x1, v2  }
0x4d: {  	v15 =	vor.u32 v16, v15;
	v48 =	vsel vm8, $0x7FF85800, v2;
	v10 =	vadd.s32 v10, v47  }
0x4e: {  	[tilespmem:s24+$0x10] =	vst v13;
	v52 =	vsel vm8, $0x1, v2;
	v10 =	vshll.u32 v10, $0x1;
	vm9 =	vgt.s32 v12, $0x7A7FF  }
0x4f: {  	v11 =	vadd.s32 v11, v48;
	[tilespmem:s26+$0x30] =	vst v15;
	v10 =	vor.u32 v50, v10;
	v51 =	vsel vm9, $0x7FF85800, v2  }
0x50: {  	v11 =	vshll.u32 v11, $0x1;
	[tilespmem:s26+$0x50] =	vst v10;
	v10 =	vor.u32 v17, v14;
	v53 =	vadd.s32 v12, v51  }
0x51: {  	v49 =	vld [tilespmem:s26+$0x10];
	v11 =	vor.u32 v52, v11;
	[tilespmem:s24+$0x70] =	vst v10;
	v10 =	vsel vm9, $0x1, v2;
	v12 =	vshll.u32 v53, $0x1  }
0x52: {  	[tilespmem:s26+$0x40] =	vst v11;
	v10 =	vor.u32 v10, v12  }
0x53: {  	v11 =	vld [tilespmem:s26+$0x70];
	[tilespmem:s25+$0x0] =	vst v10  }
0x54: {  	vm10 =	vgt.s32 v9, $0x7A7FF;
	v10 =	vld [tilespmem:s24+$0x0]  }
0x55: {  	v54 =	vsel vm10, $0x7FF85800, v2  }
0x56: {  	v57 =	vsel vm10, $0x1, v2;
	v9 =	vadd.s32 v9, v54;
	vm11 =	vgt.s32 v49, $0x7A7FF  }
0x57: {  	v9 =	vshll.u32 v9, $0x1;
	v55 =	vsel vm11, $0x1, v2;
	v56 =	vsel vm11, $0x7FF85800, v2  }
0x58: {  	v9 =	vor.u32 v57, v9;
	v14 =	vadd.s32 v49, v56;
	vm12 =	vgt.s32 v11, $0x7A7FF  }
0x59: {  	v58 =	vshll.u32 v14, $0x1;
	v59 =	vsel vm12, $0x7FF85800, v2;
	vm13 =	vgt.s32 v10, $0x7A7FF  }
0x5a: {  	[tilespmem:s24+$0x20] =	vst v9;
	v9 =	vor.u32 v55, v58;
	v11 =	vadd.s32 v11, v59;
	v60 =	vsel vm13, $0x7FF85800, v2  }
0x5b: {  	v62 =	vsel vm12, $0x1, v2;
	v11 =	vshll.u32 v11, $0x1;
	v10 =	vadd.s32 v10, v60  }
0x5c: {  	[tilespmem:s26+$0x10] =	vst v9;
	v9 =	vsel vm13, $0x1, v2;
	v11 =	vor.u32 v62, v11;
	v10 =	vshll.u32 v10, $0x1  }
0x5d: {  	[tilespmem:s26+$0x70] =	vst v11;
	v9 =	vor.u32 v9, v10  }
0x5e: {  	v61 =	vld [tilespmem:s26+$0x20];
	[tilespmem:s24+$0x0] =	vst v9  }
0x5f: {  	v9 =	vld [tilespmem:s26+$0x0];
	_ =	sdelay $0x3  }
0x60: {  	vm14 =	vgt.s32 v61, $0x7A7FF  }
0x61: {  	v10 =	vsel vm14, $0x7FF85800, v2;
	vm15 =	vgt.s32 v9, $0x7A7FF  }
0x62: {  	v10 =	vadd.s32 v61, v10;
	v11 =	vsel vm15, $0x7FF85800, v2  }
0x63: {  	v63 =	vsel vm14, $0x1, v2;
	v10 =	vshll.u32 v10, $0x1;
	v9 =	vadd.s32 v9, v11  }
0x64: {  	v10 =	vor.u32 v63, v10;
	v11 =	vsel vm15, $0x1, v2;
	v9 =	vshll.u32 v9, $0x1  }
0x65: {  	[tilespmem:s26+$0x20] =	vst v10;
	v9 =	vor.u32 v11, v9  }
0x66: {  	s25 =	simm.s32 $0x0;
	s24 =	simm.s32 $0x0;
	[tilespmem:s26+$0x0] =	vst v9  }
0x67: {  	[tilespmem:s13], [sflag:$0x1] =	stream.indirect.gather [hbm4b:s4+s9], $0x40, s24, s9, $0xb8;
	[tilespmem:$0x11600] =	vst v63  }
.LBB2_4:
0x68: {  	s26 =	sshllo.u32 s25, $0x1  }
0x69: {  	s28 =	sshll.u32 s26, $0x7  }
0x6a: {  	s28 =	sand.u32 $0x3FFFFF80, s28  }
0x6b: {  	[tilespmem:s14], [sflag:$0x2] =	stream.indirect.gather [hbm4b:s4+s9], $0x40, s28, s9, $0xb8;
	[tilespmem:$0x11600] =	vst v63  }
0x6c: {  	_ =	swait.ge [sflag:s15], $0x2000  }
0x6d: {  	p0 =	seq.s32 s25, $0x0;
	v13 =	vadd.s32 s24, v0;
	[sflag:s15] =	ssyncset.done $0x0  }
0x6e: {  	v14 =	vand.u32 $0xF, v13;
	s28 =	simm.s32 @!p0 $0x3;
	[sflag:s15] =	ssyncadd.s32 $0xFFFFE000  }
0x6f: {  	v15 =	vor.u32 $0x10, v13;
	v18 =	vshll.u32 v14, $0x6;
	_ =	swait.ge @!p0 [sflag:s28], $0x2000  }
0x70: {  	s29 =	sshll.u32 s25, $0x7;
	v16 =	vor.u32 $0x20, v14;
	v19 =	vshll.u32 v15, $0x6;
	v17 =	vor.u32 v3, v18;
	[sflag:s28] =	ssyncset.done @!p0 $0x0  }
0x71: {  	v20 =	vor.u32 $0x40, v14;
	v21 =	vor.u32 v3, v19;
	v22 =	vshll.u32 v16, $0x6;
	[sflag:s28] =	ssyncadd.s32 @!p0 $0xFFFFE000;
	s28 =	sand.u32 $0x3FFFFF80, s29  }
0x72: {  	v24 =	vshll.u32 v20, $0x6;
	v23 =	vor.u32 v3, v22;
	v11 =	vld [tilespmem:s28+$0x6400]  }
0x73: {  	v25 =	vor.u32 $0x30, v13;
	v26 =	vor.u32 v3, v24;
	v12 =	vld [tilespmem:s28+$0x6410]  }
0x74: {  	v28 =	vshll.u32 v25, $0x6;
	v27 =	vor.u32 v0, v18;
	v9 =	vld [tilespmem:s28+$0x6420]  }
0x75: {  	v29 =	vor.u32 $0x60, v14;
	v14 =	vor.u32 v0, v28;
	v17 =	vld.idx.msk [tilespmem:v17+s13+$0x0], $0xffff  }
0x76: {  	v30 =	vor.u32 v3, v28;
	v31 =	vshll.u32 v29, $0x6;
	v21 =	vld.idx.msk [tilespmem:v21+s13+$0x0], $0xffff  }
0x77: {  	v32 =	vor.u32 v3, v31;
	v23 =	vld.idx.msk [tilespmem:v23+s13+$0x0], $0xffff  }
0x78: {  	v33 =	vor.u32 $0x50, v13;
	v34 =	vor.u32 v0, v31;
	v26 =	vld.idx.msk [tilespmem:v26+s13+$0x0], $0xffff  }
0x79: {  	v36 =	vshll.u32 v33, $0x6;
	v35 =	vor.u32 v0, v19;
	v27 =	vld.idx.msk [tilespmem:v27+s13+$0x0], $0xffff  }
0x7a: {  	v37 =	vor.u32 v3, v36;
	v38 =	vld.idx.msk [tilespmem:v14+s13+$0x0], $0xffff  }
0x7b: {  	v14 =	vor.u32 v0, v24;
	v30 =	vld.idx.msk [tilespmem:v30+s13+$0x0], $0xffff  }
0x7c: {  	v40 =	vor.u32 $0x70, v13;
	v39 =	vor.u32 v0, v22;
	v32 =	vld.idx.msk [tilespmem:v32+s13+$0x0], $0xffff  }
0x7d: {  	v41 =	vshll.u32 v40, $0x6;
	v42 =	vor.u32 v0, v36;
	v34 =	vld.idx.msk [tilespmem:v34+s13+$0x0], $0xffff  }
0x7e: {  	v43 =	vand.u32 $0x7, v13;
	v44 =	vor.u32 v3, v41;
	v35 =	vld.idx.msk [tilespmem:v35+s13+$0x0], $0xffff  }
0x7f: {  	v47 =	vand.u32 $0x8, v13;
	v46 =	vor.u32 v1, v43;
	v45 =	vor.u32 v0, v41;
	v37 =	vld.idx.msk [tilespmem:v37+s13+$0x0], $0xffff  }
0x80: {  	v48 =	vor.u32 v4, v43;
	v49 =	vld.idx.msk [tilespmem:v14+s13+$0x0], $0xffff;
	v14 =	vor.u32 v47, v46  }
0x81: {  	v50 =	vand.u32 $0x18, v15;
	v63 =	vor.u32 v47, v48;
	v15 =	vld.idx.msk [tilespmem:v39+s13+$0x0], $0xffff  }
0x82: {  	v51 =	vor.u32 v50, v46;
	v42 =	vld.idx.msk [tilespmem:v42+s13+$0x0], $0xffff  }
0x83: {  	v52 =	vor.u32 v50, v48;
	v13 =	vand.u32 $0x28, v16;
	v44 =	vld.idx.msk [tilespmem:v44+s13+$0x0], $0xffff;
	v27 =	vadd.f32 v27, v11  }
0x84: {  	v45 =	vld.idx.msk [tilespmem:v45+s13+$0x0], $0xffff;
	v16 =	vadd.f32 v17, v12;
	v17 =	vor.u32 v13, v46  }
0x85: {  	v10 =	vld [tilespmem:s28+$0x6430];
	v35 =	vadd.f32 v35, v11;
	[tilespmem:v14+s16+$0x0] =	vst.idx.msk $0xffff, v27;
	v27 =	vor.u32 v13, v48;
	v14 =	vand.u32 $0x38, v25  }
0x86: {  	v21 =	vadd.f32 v21, v12;
	[tilespmem:v63+s16+$0x0] =	vst.idx.msk $0xffff, v16;
	v25 =	vor.u32 v14, v46  }
0x87: {  	v16 =	vadd.f32 v15, v11;
	v55 =	vor.u32 v14, v48;
	v15 =	vand.u32 $0x48, v20;
	[tilespmem:v51+s16+$0x0] =	vst.idx.msk $0xffff, v35  }
0x88: {  	v20 =	vadd.f32 v23, v12;
	[tilespmem:v52+s16+$0x0] =	vst.idx.msk $0xffff, v21;
	v21 =	vor.u32 v15, v46  }
0x89: {  	v23 =	vadd.f32 v38, v11;
	v56 =	vor.u32 v15, v48;
	[tilespmem:v17+s16+$0x0] =	vst.idx.msk $0xffff, v16;
	v16 =	vand.u32 $0x58, v33  }
0x8a: {  	v30 =	vadd.f32 v30, v12;
	[tilespmem:v27+s16+$0x0] =	vst.idx.msk $0xffff, v20;
	v27 =	vor.u32 v16, v46  }
0x8b: {  	v17 =	vand.u32 $0x68, v29;
	v20 =	vadd.f32 v49, v11;
	[tilespmem:v25+s16+$0x0] =	vst.idx.msk $0xffff, v23;
	v23 =	vor.u32 v16, v48  }
0x8c: {  	v25 =	vadd.f32 v26, v12;
	v26 =	vor.u32 v17, v46;
	[tilespmem:v55+s16+$0x0] =	vst.idx.msk $0xffff, v30  }
0x8d: {  	v29 =	vadd.f32 v42, v11;
	[tilespmem:v21+s16+$0x0] =	vst.idx.msk $0xffff, v20;
	v21 =	vor.u32 v17, v48;
	v20 =	vand.u32 $0x78, v40  }
0x8e: {  	v30 =	vadd.f32 v37, v12;
	[tilespmem:v56+s16+$0x0] =	vst.idx.msk $0xffff, v25;
	v25 =	vor.u32 v20, v46  }
0x8f: {  	v57 =	vadd.f32 v34, v11;
	[tilespmem:v27+s16+$0x0] =	vst.idx.msk $0xffff, v29;
	v27 =	vor.u32 v20, v48  }
0x90: {  	v29 =	vadd.f32 v32, v12;
	[tilespmem:v23+s16+$0x0] =	vst.idx.msk $0xffff, v30;
	v23 =	vor.u32 v6, v41  }
0x91: {  	v58 =	vor.u32 v6, v28;
	v30 =	vadd.f32 v45, v11;
	[tilespmem:v26+s16+$0x0] =	vst.idx.msk $0xffff, v57  }
0x92: {  	v59 =	vor.u32 v6, v18;
	v26 =	vadd.f32 v44, v12;
	[tilespmem:v21+s16+$0x0] =	vst.idx.msk $0xffff, v29  }
0x93: {  	v21 =	vor.u32 v6, v22;
	[tilespmem:v25+s16+$0x0] =	vst.idx.msk $0xffff, v30  }
0x94: {  	v22 =	vor.u32 v5, v22;
	[tilespmem:v27+s16+$0x0] =	vst.idx.msk $0xffff, v26  }
0x95: {  	v25 =	vor.u32 v6, v36;
	v26 =	vld.idx.msk [tilespmem:v23+s13+$0x0], $0xffff  }
0x96: {  	v27 =	vor.u32 v5, v28;
	v29 =	vld.idx.msk [tilespmem:v58+s13+$0x0], $0xffff  }
0x97: {  	v60 =	vor.u32 v5, v36;
	v23 =	vor.u32 v5, v19;
	v36 =	vld.idx.msk [tilespmem:v59+s13+$0x0], $0xffff  }
0x98: {  	v19 =	vor.u32 v6, v19;
	v30 =	vld.idx.msk [tilespmem:v21+s13+$0x0], $0xffff  }
0x99: {  	v21 =	vor.u32 v5, v18;
	v28 =	vld.idx.msk [tilespmem:v22+s13+$0x0], $0xffff  }
0x9a: {  	v62 =	vor.u32 v5, v24;
	v22 =	vld.idx.msk [tilespmem:v25+s13+$0x0], $0xffff  }
0x9b: {  	v27 =	vld.idx.msk [tilespmem:v27+s13+$0x0], $0xffff  }
0x9c: {  	v25 =	vor.u32 v5, v31;
	v33 =	vld.idx.msk [tilespmem:v23+s13+$0x0], $0xffff  }
0x9d: {  	v34 =	vld.idx.msk [tilespmem:v19+s13+$0x0], $0xffff;
	v19 =	vor.u32 v6, v24  }
0x9e: {  	v63 =	vor.u32 v5, v41;
	v61 =	vld.idx.msk [tilespmem:v21+s13+$0x0], $0xffff  }
0x9f: {  	v39 =	vor.u32 v6, v31;
	v35 =	vor.u32 v8, v43;
	v18 =	vor.u32 v7, v43;
	v31 =	vld.idx.msk [tilespmem:v62+s13+$0x0], $0xffff  }
0xa0: {  	v41 =	vor.u32 v47, v35;
	v38 =	vor.u32 v47, v18;
	v24 =	vld.idx.msk [tilespmem:v60+s13+$0x0], $0xffff  }
0xa1: {  	v40 =	vor.u32 v50, v18;
	v21 =	vor.u32 v13, v18;
	v28 =	vadd.f32 v28, v9;
	v23 =	vld.idx.msk [tilespmem:v25+s13+$0x0], $0xffff  }
0xa2: {  	v25 =	vadd.f32 v30, v10;
	v30 =	vor.u32 v50, v35;
	v37 =	vadd.f32 v33, v9;
	v32 =	vld.idx.msk [tilespmem:v19+s13+$0x0], $0xffff  }
0xa3: {  	s28 =	simm.s32 $0x1;
	v33 =	vadd.f32 v27, v9;
	v19 =	vld.idx.msk [tilespmem:v63+s13+$0x0], $0xffff;
	v27 =	vor.u32 v20, v35;
	v42 =	vadd.f32 v61, v9  }
.LBB2_5:
0xa4: {  	p1 =	sne.s32 s28, $0xF;
	v36 =	vadd.f32 v36, v10;
	v39 =	vld.idx.msk [tilespmem:v39+s13+$0x0], $0xffff;
	v43 =	vor.u32 v16, v35;
	v44 =	vor.u32 v17, v35;
	s29 =	smov.u32 s28;
	s28 =	sadd.s32 $0x1, s28  }
0xa5: {  	v34 =	vadd.f32 v34, v10;
	v13 =	vor.u32 v13, v35;
	[tilespmem:v38+s16+$0x0] =	vst.idx.msk $0xffff, v42  }
0xa6: {  	v38 =	vor.u32 v15, v35;
	[tilespmem:v41+s16+$0x0] =	vst.idx.msk $0xffff, v36;
	v36 =	vor.u32 v14, v18  }
0xa7: {  	v20 =	vor.u32 v20, v18;
	v14 =	vor.u32 v14, v35;
	[tilespmem:v40+s16+$0x0] =	vst.idx.msk $0xffff, v37  }
0xa8: {  	v29 =	vadd.f32 v29, v10;
	v15 =	vor.u32 v15, v18;
	[tilespmem:v30+s16+$0x0] =	vst.idx.msk $0xffff, v34  }
0xa9: {  	v16 =	vor.u32 v16, v18;
	v17 =	vor.u32 v17, v18;
	[tilespmem:v21+s16+$0x0] =	vst.idx.msk $0xffff, v28  }
0xaa: {  	v18 =	vadd.f32 v31, v9;
	v21 =	vadd.f32 v26, v10;
	[tilespmem:v13+s16+$0x0] =	vst.idx.msk $0xffff, v25  }
0xab: {  	v13 =	vadd.f32 v32, v10;
	v25 =	vadd.f32 v22, v10;
	[tilespmem:v36+s16+$0x0] =	vst.idx.msk $0xffff, v33  }
0xac: {  	v26 =	vadd.f32 v24, v9;
	v28 =	vadd.f32 v19, v9;
	[tilespmem:v14+s16+$0x0] =	vst.idx.msk $0xffff, v29  }
0xad: {  	v23 =	vadd.f32 v23, v9;
	v14 =	vadd.s32 s29, v0;
	v29 =	vadd.f32 v39, v10;
	[tilespmem:v15+s16+$0x0] =	vst.idx.msk $0xffff, v18  }
0xae: {  	v15 =	vand.u32 $0xF, v14;
	v18 =	vor.u32 $0x10, v14;
	v32 =	vor.u32 $0x30, v14;
	[tilespmem:v38+s16+$0x0] =	vst.idx.msk $0xffff, v13  }
0xaf: {  	v13 =	vor.u32 $0x20, v15;
	v22 =	vshll.u32 v15, $0x6;
	v24 =	vshll.u32 v18, $0x6;
	[tilespmem:v16+s16+$0x0] =	vst.idx.msk $0xffff, v26  }
0xb0: {  	v19 =	vand.u32 $0x7, v14;
	v16 =	vor.u32 v0, v22;
	v30 =	vor.u32 v3, v22;
	[tilespmem:v43+s16+$0x0] =	vst.idx.msk $0xffff, v25  }
0xb1: {  	v33 =	vor.u32 $0x40, v15;
	v31 =	vor.u32 v3, v24;
	v26 =	vshll.u32 v13, $0x6;
	[tilespmem:v17+s16+$0x0] =	vst.idx.msk $0xffff, v23  }
0xb2: {  	v34 =	vor.u32 v3, v26;
	v17 =	vor.u32 v0, v26;
	v23 =	vshll.u32 v33, $0x6;
	[tilespmem:v44+s16+$0x0] =	vst.idx.msk $0xffff, v29  }
0xb3: {  	v35 =	vor.u32 $0x60, v15;
	v29 =	vshll.u32 v32, $0x6;
	v15 =	vor.u32 v3, v23;
	[tilespmem:v20+s16+$0x0] =	vst.idx.msk $0xffff, v28  }
0xb4: {  	v25 =	vshll.u32 v35, $0x6;
	v20 =	vor.u32 v0, v29;
	v36 =	vor.u32 v3, v29;
	[tilespmem:v27+s16+$0x0] =	vst.idx.msk $0xffff, v21  }
0xb5: {  	v37 =	vor.u32 $0x50, v14;
	v38 =	vor.u32 v3, v25;
	v21 =	vld.idx.msk [tilespmem:v30+s13+$0x0], $0xffff;
	v30 =	vor.u32 v0, v25  }
0xb6: {  	v39 =	vor.u32 $0x70, v14;
	v40 =	vor.u32 v0, v24;
	v28 =	vshll.u32 v37, $0x6;
	v31 =	vld.idx.msk [tilespmem:v31+s13+$0x0], $0xffff  }
0xb7: {  	v41 =	vor.u32 v0, v23;
	v42 =	vor.u32 v3, v28;
	v27 =	vshll.u32 v39, $0x6;
	v34 =	vld.idx.msk [tilespmem:v34+s13+$0x0], $0xffff  }
0xb8: {  	v43 =	vor.u32 v0, v28;
	v44 =	vor.u32 v0, v27;
	v45 =	vor.u32 v3, v27;
	v15 =	vld.idx.msk [tilespmem:v15+s13+$0x0], $0xffff  }
0xb9: {  	v46 =	vor.u32 v1, v19;
	v47 =	vor.u32 v4, v19;
	v16 =	vld.idx.msk [tilespmem:v16+s13+$0x0], $0xffff  }
0xba: {  	v20 =	vld.idx.msk [tilespmem:v20+s13+$0x0], $0xffff  }
0xbb: {  	v36 =	vld.idx.msk [tilespmem:v36+s13+$0x0], $0xffff  }
0xbc: {  	v48 =	vadd.f32 v21, v12;
	v38 =	vld.idx.msk [tilespmem:v38+s13+$0x0], $0xffff  }
0xbd: {  	v49 =	vld.idx.msk [tilespmem:v30+s13+$0x0], $0xffff  }
0xbe: {  	v21 =	vld.idx.msk [tilespmem:v40+s13+$0x0], $0xffff;
	v40 =	vadd.f32 v31, v12  }
0xbf: {  	v31 =	vand.u32 $0x8, v14;
	v42 =	vld.idx.msk [tilespmem:v42+s13+$0x0], $0xffff  }
0xc0: {  	v34 =	vadd.f32 v34, v12;
	v30 =	vand.u32 $0x18, v18;
	v14 =	vor.u32 v31, v46;
	v41 =	vld.idx.msk [tilespmem:v41+s13+$0x0], $0xffff  }
0xc1: {  	v16 =	vadd.f32 v16, v11;
	v20 =	vadd.f32 v20, v11;
	v50 =	vor.u32 v31, v47;
	v17 =	vld.idx.msk [tilespmem:v17+s13+$0x0], $0xffff  }
0xc2: {  	v51 =	vor.u32 v30, v46;
	v43 =	vld.idx.msk [tilespmem:v43+s13+$0x0], $0xffff  }
0xc3: {  	v13 =	vand.u32 $0x28, v13;
	v18 =	vor.u32 v7, v19;
	v52 =	vor.u32 v30, v47;
	v45 =	vld.idx.msk [tilespmem:v45+s13+$0x0], $0xffff  }
0xc4: {  	v54 =	vor.u32 v13, v46;
	v36 =	vadd.f32 v36, v12;
	v53 =	vadd.f32 v21, v11;
	v44 =	vld.idx.msk [tilespmem:v44+s13+$0x0], $0xffff  }
0xc5: {  	v55 =	vor.u32 v13, v47;
	v21 =	vor.u32 v13, v18;
	[tilespmem:v14+s16+$0x0] =	vst.idx.msk $0xffff, v16;
	v14 =	vand.u32 $0x38, v32  }
0xc6: {  	v32 =	vadd.f32 v15, v12;
	[tilespmem:v50+s16+$0x0] =	vst.idx.msk $0xffff, v48;
	v48 =	vor.u32 v14, v46  }
0xc7: {  	v15 =	vand.u32 $0x48, v33;
	v16 =	vadd.f32 v17, v11;
	v50 =	vor.u32 v14, v47;
	[tilespmem:v51+s16+$0x0] =	vst.idx.msk $0xffff, v53  }
0xc8: {  	v33 =	vadd.f32 v41, v11;
	[tilespmem:v52+s16+$0x0] =	vst.idx.msk $0xffff, v40;
	v40 =	vor.u32 v15, v46  }
0xc9: {  	v41 =	vadd.f32 v43, v11;
	v43 =	vor.u32 v15, v47;
	[tilespmem:v54+s16+$0x0] =	vst.idx.msk $0xffff, v16;
	v16 =	vand.u32 $0x58, v37  }
0xca: {  	[tilespmem:v55+s16+$0x0] =	vst.idx.msk $0xffff, v34;
	v34 =	vor.u32 v16, v46  }
0xcb: {  	v17 =	vand.u32 $0x68, v35;
	v37 =	vadd.f32 v49, v11;
	[tilespmem:v48+s16+$0x0] =	vst.idx.msk $0xffff, v20;
	v48 =	vor.u32 v16, v47  }
0xcc: {  	v35 =	vor.u32 v17, v46;
	[tilespmem:v50+s16+$0x0] =	vst.idx.msk $0xffff, v36  }
0xcd: {  	v20 =	vand.u32 $0x78, v39;
	v36 =	vadd.f32 v42, v12;
	[tilespmem:v40+s16+$0x0] =	vst.idx.msk $0xffff, v33;
	v33 =	vor.u32 v17, v47  }
0xce: {  	[tilespmem:v43+s16+$0x0] =	vst.idx.msk $0xffff, v32;
	v32 =	vor.u32 v20, v46  }
0xcf: {  	[tilespmem:v34+s16+$0x0] =	vst.idx.msk $0xffff, v41;
	v34 =	vor.u32 v20, v47  }
0xd0: {  	v38 =	vadd.f32 v38, v12;
	[tilespmem:v48+s16+$0x0] =	vst.idx.msk $0xffff, v36;
	v36 =	vor.u32 v6, v27  }
0xd1: {  	v39 =	vadd.f32 v44, v11;
	[tilespmem:v35+s16+$0x0] =	vst.idx.msk $0xffff, v37;
	v35 =	vor.u32 v6, v29  }
0xd2: {  	v37 =	vadd.f32 v45, v12;
	[tilespmem:v33+s16+$0x0] =	vst.idx.msk $0xffff, v38;
	v33 =	vor.u32 v6, v26  }
0xd3: {  	[tilespmem:v32+s16+$0x0] =	vst.idx.msk $0xffff, v39;
	v32 =	vor.u32 v5, v26  }
0xd4: {  	[tilespmem:v34+s16+$0x0] =	vst.idx.msk $0xffff, v37;
	v34 =	vor.u32 v6, v28  }
0xd5: {  	v37 =	vor.u32 v5, v29;
	v26 =	vld.idx.msk [tilespmem:v36+s13+$0x0], $0xffff  }
0xd6: {  	v36 =	vor.u32 v5, v24;
	v29 =	vld.idx.msk [tilespmem:v35+s13+$0x0], $0xffff  }
0xd7: {  	v24 =	vor.u32 v6, v24;
	v35 =	vor.u32 v5, v22;
	v33 =	vld.idx.msk [tilespmem:v33+s13+$0x0], $0xffff  }
0xd8: {  	v32 =	vld.idx.msk [tilespmem:v32+s13+$0x0], $0xffff  }
0xd9: {  	v38 =	vor.u32 v6, v22;
	v22 =	vld.idx.msk [tilespmem:v34+s13+$0x0], $0xffff  }
0xda: {  	v40 =	vld.idx.msk [tilespmem:v37+s13+$0x0], $0xffff;
	v37 =	vor.u32 v5, v25  }
0xdb: {  	v42 =	vor.u32 v5, v28;
	v41 =	vld.idx.msk [tilespmem:v36+s13+$0x0], $0xffff  }
0xdc: {  	v43 =	vor.u32 v6, v23;
	v34 =	vld.idx.msk [tilespmem:v24+s13+$0x0], $0xffff  }
0xdd: {  	v45 =	vor.u32 v5, v23;
	v44 =	vld.idx.msk [tilespmem:v35+s13+$0x0], $0xffff  }
0xde: {  	v27 =	vor.u32 v5, v27;
	v36 =	vld.idx.msk [tilespmem:v38+s13+$0x0], $0xffff  }
.Ltmp1:
0xdf: {  	v39 =	vor.u32 v6, v25;
	v28 =	vadd.f32 v32, v9;
	v23 =	vld.idx.msk [tilespmem:v37+s13+$0x0], $0xffff;
	(pc) =	sbr.rel @p1 .LBB2_5-.Ltmp1, $4  }
0xe0: {  	v25 =	vadd.f32 v33, v10;
	v35 =	vor.u32 v8, v19;
	v38 =	vor.u32 v31, v18;
	v24 =	vld.idx.msk [tilespmem:v42+s13+$0x0], $0xffff  }
0xe1: {  	v33 =	vadd.f32 v40, v9;
	v37 =	vadd.f32 v41, v9;
	v41 =	vor.u32 v31, v35;
	v32 =	vld.idx.msk [tilespmem:v43+s13+$0x0], $0xffff  }
0xe2: {  	v40 =	vor.u32 v30, v18;
	v31 =	vld.idx.msk [tilespmem:v45+s13+$0x0], $0xffff  }
0xe3: {  	v30 =	vor.u32 v30, v35;
	v42 =	vadd.f32 v44, v9;
	v19 =	vld.idx.msk [tilespmem:v27+s13+$0x0], $0xffff;
	v27 =	vor.u32 v20, v35  }
0xe4: {  	_ =	sdelay $0x2  }
0xe5: {  	v11 =	vadd.f32 v36, v10  }
0xe6: {  	v12 =	vld.idx.msk [tilespmem:v39+s13+$0x0], $0xffff;
	v13 =	vor.u32 v13, v35;
	[tilespmem:v38+s16+$0x0] =	vst.idx.msk $0xffff, v42  }
0xe7: {  	v34 =	vadd.f32 v34, v10;
	[tilespmem:v41+s16+$0x0] =	vst.idx.msk $0xffff, v11;
	v11 =	vor.u32 v14, v18  }
0xe8: {  	v51 =	vor.u32 v14, v35;
	[tilespmem:v40+s16+$0x0] =	vst.idx.msk $0xffff, v37  }
0xe9: {  	v52 =	vor.u32 v15, v18;
	[tilespmem:v30+s16+$0x0] =	vst.idx.msk $0xffff, v34  }
0xea: {  	v53 =	vor.u32 v15, v35;
	[tilespmem:v21+s16+$0x0] =	vst.idx.msk $0xffff, v28  }
0xeb: {  	v54 =	vadd.f32 v29, v10;
	v55 =	vor.u32 v16, v18;
	[tilespmem:v13+s16+$0x0] =	vst.idx.msk $0xffff, v25  }
0xec: {  	v56 =	vor.u32 v16, v35;
	v57 =	vadd.f32 v31, v9;
	[tilespmem:v11+s16+$0x0] =	vst.idx.msk $0xffff, v33  }
0xed: {  	v58 =	vadd.f32 v32, v10;
	v11 =	vor.u32 v17, v18;
	[tilespmem:v51+s16+$0x0] =	vst.idx.msk $0xffff, v54  }
0xee: {  	v59 =	vor.u32 v17, v35;
	v60 =	vadd.f32 v24, v9;
	[tilespmem:v52+s16+$0x0] =	vst.idx.msk $0xffff, v57  }
0xef: {  	v61 =	vor.u32 v20, v18;
	v62 =	vadd.f32 v22, v10;
	[tilespmem:v53+s16+$0x0] =	vst.idx.msk $0xffff, v58  }
0xf0: {  	v63 =	vadd.f32 v23, v9;
	[tilespmem:v55+s16+$0x0] =	vst.idx.msk $0xffff, v60  }
0xf1: {  	p1 =	sne.s32 s25, $0x63;
	v12 =	vadd.f32 v12, v10;
	[tilespmem:v56+s16+$0x0] =	vst.idx.msk $0xffff, v62  }
.Ltmp2:
0xf2: {  	s28 =	sshll.u32 s25, $0x13;
	v9 =	vadd.f32 v19, v9;
	[tilespmem:v11+s16+$0x0] =	vst.idx.msk $0xffff, v63;
	(pc) =	sbr.rel @p1 .LBB2_8-.Ltmp2, $4  }
0xf3: {  	s28 =	sor.u32 s7, s28;
	v10 =	vadd.f32 v26, v10;
	[tilespmem:v59+s16+$0x0] =	vst.idx.msk $0xffff, v12  }
0xf4: {  	s28 =	sshrl.u32 s28, $0x3;
	[tilespmem:v61+s16+$0x0] =	vst.idx.msk $0xffff, v9  }
0xf5: {  	s28 =	sadd.s32 s2, s28;
	[tilespmem:v27+s16+$0x0] =	vst.idx.msk $0xffff, v10  }
0xf6: {  	[hbm4b:s28+s17] =	stream.strided.scatter [tilespmem:s16], [sflag:$0x3], $0x2000, s18, s17, $0x38;
	[tilespmem:$0x11600] =	vst v63  }
.Ltmp3:
0xf7: {  	(pc) =	sbr.rel .LBB2_9-.Ltmp3, $4  }
0xf8: {  	_ = 	snop  }
0xf9: {  	_ =	swait.ge [sflag:s19], $0x2000  }
0xfa: {  	[sflag:s19] =	ssyncset.done $0x0  }
0xfb: {  	[sflag:s19] =	ssyncadd.s32 $0xFFFFE000  }
.LBB2_8:
0xfc: {  	s28 =	sshll.u32 s25, $0x8  }
0xfd: {  	s28 =	sand.u32 $0x3FFFFF00, s28  }
.Ltmp4:
0xfe: {  	s28 =	sadd.s32 $0x100, s28;
	(pc) =	sbr.rel @p0 .LBB2_10-.Ltmp4, $4  }
0xff: {  	[tilespmem:s13], [sflag:$0x1] =	stream.indirect.gather [hbm4b:s4+s9], $0x40, s28, s9, $0xb8;
	[tilespmem:$0x11600] =	vst v63  }
0x100: {  	_ =	swait.ge [sflag:s19], $0x2000  }
0x101: {  	[sflag:s19] =	ssyncset.done $0x0  }
0x102: {  	[sflag:s19] =	ssyncadd.s32 $0xFFFFE000  }
.LBB2_9:
0x103: {  	_ =	swait.ge [sflag:s20], $0x2000  }
0x104: {  	[sflag:s20] =	ssyncset.done $0x0  }
0x105: {  	[sflag:s20] =	ssyncadd.s32 $0xFFFFE000  }
.LBB2_10:
0x106: {  	s28 =	simm.s32 $0x0  }
0x107: {  	v13 =	vadd.s32 s28, v0  }
0x108: {  	v14 =	vand.u32 $0xF, v13  }
0x109: {  	v15 =	vor.u32 $0x10, v13;
	v18 =	vshll.u32 v14, $0x6  }
0x10a: {  	s28 =	sshll.u32 s26, $0x6;
	v19 =	vshll.u32 v15, $0x6;
	v17 =	vor.u32 v3, v18  }
0x10b: {  	s28 =	sand.u32 $0x3FFFFFC0, s28;
	v25 =	vor.u32 $0x30, v13;
	v21 =	vor.u32 v3, v19  }
0x10c: {  	v16 =	vor.u32 $0x20, v14;
	v11 =	vld [tilespmem:s28+$0x6400];
	v28 =	vshll.u32 v25, $0x6;
	v27 =	vor.u32 v0, v18  }
0x10d: {  	v20 =	vor.u32 $0x40, v14;
	v12 =	vld [tilespmem:s28+$0x6410];
	v29 =	vor.u32 $0x60, v14;
	v14 =	vor.u32 v0, v28  }
0x10e: {  	v33 =	vor.u32 $0x50, v13;
	v9 =	vld [tilespmem:s28+$0x6420];
	v30 =	vor.u32 v3, v28  }
0x10f: {  	v36 =	vshll.u32 v33, $0x6;
	v35 =	vor.u32 v0, v19;
	v17 =	vld.idx.msk [tilespmem:v17+s14+$0x0], $0xffff  }
0x110: {  	v40 =	vor.u32 $0x70, v13;
	v37 =	vor.u32 v3, v36;
	v21 =	vld.idx.msk [tilespmem:v21+s14+$0x0], $0xffff  }
0x111: {  	v41 =	vshll.u32 v40, $0x6;
	v42 =	vor.u32 v0, v36;
	v27 =	vld.idx.msk [tilespmem:v27+s14+$0x0], $0xffff  }
0x112: {  	v44 =	vor.u32 v3, v41;
	v38 =	vld.idx.msk [tilespmem:v14+s14+$0x0], $0xffff  }
0x113: {  	v22 =	vshll.u32 v16, $0x6;
	v45 =	vor.u32 v0, v41;
	v30 =	vld.idx.msk [tilespmem:v30+s14+$0x0], $0xffff  }
0x114: {  	v24 =	vshll.u32 v20, $0x6;
	v23 =	vor.u32 v3, v22;
	v35 =	vld.idx.msk [tilespmem:v35+s14+$0x0], $0xffff  }
0x115: {  	v14 =	vor.u32 v0, v24;
	v37 =	vld.idx.msk [tilespmem:v37+s14+$0x0], $0xffff  }
0x116: {  	v26 =	vor.u32 v3, v24;
	v42 =	vld.idx.msk [tilespmem:v42+s14+$0x0], $0xffff  }
0x117: {  	v31 =	vshll.u32 v29, $0x6;
	v39 =	vor.u32 v0, v22;
	v44 =	vld.idx.msk [tilespmem:v44+s14+$0x0], $0xffff  }
0x118: {  	v43 =	vand.u32 $0x7, v13;
	v32 =	vor.u32 v3, v31;
	v45 =	vld.idx.msk [tilespmem:v45+s14+$0x0], $0xffff  }
0x119: {  	v47 =	vand.u32 $0x8, v13;
	v46 =	vor.u32 v1, v43;
	v34 =	vor.u32 v0, v31;
	v23 =	vld.idx.msk [tilespmem:v23+s14+$0x0], $0xffff  }
0x11a: {  	v48 =	vor.u32 v4, v43;
	v49 =	vld.idx.msk [tilespmem:v14+s14+$0x0], $0xffff;
	v14 =	vor.u32 v47, v46  }
0x11b: {  	v50 =	vand.u32 $0x18, v15;
	v63 =	vor.u32 v47, v48;
	v26 =	vld.idx.msk [tilespmem:v26+s14+$0x0], $0xffff  }
0x11c: {  	v51 =	vor.u32 v50, v46;
	v15 =	vld.idx.msk [tilespmem:v39+s14+$0x0], $0xffff  }
0x11d: {  	v52 =	vor.u32 v50, v48;
	v13 =	vand.u32 $0x28, v16;
	v32 =	vld.idx.msk [tilespmem:v32+s14+$0x0], $0xffff;
	v27 =	vadd.f32 v27, v11  }
0x11e: {  	v34 =	vld.idx.msk [tilespmem:v34+s14+$0x0], $0xffff;
	v16 =	vadd.f32 v17, v12;
	v17 =	vor.u32 v13, v46  }
0x11f: {  	v10 =	vld [tilespmem:s28+$0x6430];
	v35 =	vadd.f32 v35, v11;
	[tilespmem:v14+s21+$0x0] =	vst.idx.msk $0xffff, v27;
	v27 =	vor.u32 v13, v48;
	v14 =	vand.u32 $0x38, v25  }
0x120: {  	v21 =	vadd.f32 v21, v12;
	[tilespmem:v63+s21+$0x0] =	vst.idx.msk $0xffff, v16;
	v25 =	vor.u32 v14, v46  }
0x121: {  	v16 =	vadd.f32 v15, v11;
	v55 =	vor.u32 v14, v48;
	v15 =	vand.u32 $0x48, v20;
	[tilespmem:v51+s21+$0x0] =	vst.idx.msk $0xffff, v35  }
0x122: {  	v20 =	vadd.f32 v23, v12;
	[tilespmem:v52+s21+$0x0] =	vst.idx.msk $0xffff, v21;
	v21 =	vor.u32 v15, v46  }
0x123: {  	v23 =	vadd.f32 v38, v11;
	v56 =	vor.u32 v15, v48;
	[tilespmem:v17+s21+$0x0] =	vst.idx.msk $0xffff, v16;
	v16 =	vand.u32 $0x58, v33  }
0x124: {  	v30 =	vadd.f32 v30, v12;
	[tilespmem:v27+s21+$0x0] =	vst.idx.msk $0xffff, v20;
	v27 =	vor.u32 v16, v46  }
0x125: {  	v17 =	vand.u32 $0x68, v29;
	v20 =	vadd.f32 v49, v11;
	[tilespmem:v25+s21+$0x0] =	vst.idx.msk $0xffff, v23;
	v23 =	vor.u32 v16, v48  }
0x126: {  	v25 =	vadd.f32 v26, v12;
	v26 =	vor.u32 v17, v46;
	[tilespmem:v55+s21+$0x0] =	vst.idx.msk $0xffff, v30  }
0x127: {  	v29 =	vadd.f32 v42, v11;
	[tilespmem:v21+s21+$0x0] =	vst.idx.msk $0xffff, v20;
	v21 =	vor.u32 v17, v48;
	v20 =	vand.u32 $0x78, v40  }
0x128: {  	v30 =	vadd.f32 v37, v12;
	[tilespmem:v56+s21+$0x0] =	vst.idx.msk $0xffff, v25;
	v25 =	vor.u32 v20, v46  }
0x129: {  	v57 =	vadd.f32 v34, v11;
	[tilespmem:v27+s21+$0x0] =	vst.idx.msk $0xffff, v29;
	v27 =	vor.u32 v20, v48  }
0x12a: {  	v29 =	vadd.f32 v32, v12;
	[tilespmem:v23+s21+$0x0] =	vst.idx.msk $0xffff, v30;
	v23 =	vor.u32 v6, v41  }
0x12b: {  	v58 =	vor.u32 v6, v28;
	v30 =	vadd.f32 v45, v11;
	[tilespmem:v26+s21+$0x0] =	vst.idx.msk $0xffff, v57  }
0x12c: {  	v59 =	vor.u32 v6, v18;
	v26 =	vadd.f32 v44, v12;
	[tilespmem:v21+s21+$0x0] =	vst.idx.msk $0xffff, v29  }
0x12d: {  	v21 =	vor.u32 v6, v22;
	[tilespmem:v25+s21+$0x0] =	vst.idx.msk $0xffff, v30  }
0x12e: {  	v22 =	vor.u32 v5, v22;
	[tilespmem:v27+s21+$0x0] =	vst.idx.msk $0xffff, v26  }
0x12f: {  	v25 =	vor.u32 v6, v36;
	v26 =	vld.idx.msk [tilespmem:v23+s14+$0x0], $0xffff  }
0x130: {  	v27 =	vor.u32 v5, v28;
	v29 =	vld.idx.msk [tilespmem:v58+s14+$0x0], $0xffff  }
0x131: {  	v60 =	vor.u32 v5, v36;
	v23 =	vor.u32 v5, v19;
	v36 =	vld.idx.msk [tilespmem:v59+s14+$0x0], $0xffff  }
0x132: {  	v19 =	vor.u32 v6, v19;
	v30 =	vld.idx.msk [tilespmem:v21+s14+$0x0], $0xffff  }
0x133: {  	v21 =	vor.u32 v5, v18;
	v28 =	vld.idx.msk [tilespmem:v22+s14+$0x0], $0xffff  }
0x134: {  	v62 =	vor.u32 v5, v24;
	v22 =	vld.idx.msk [tilespmem:v25+s14+$0x0], $0xffff  }
0x135: {  	v27 =	vld.idx.msk [tilespmem:v27+s14+$0x0], $0xffff  }
0x136: {  	v25 =	vor.u32 v5, v31;
	v33 =	vld.idx.msk [tilespmem:v23+s14+$0x0], $0xffff  }
0x137: {  	v34 =	vld.idx.msk [tilespmem:v19+s14+$0x0], $0xffff;
	v19 =	vor.u32 v6, v24  }
0x138: {  	v63 =	vor.u32 v5, v41;
	v61 =	vld.idx.msk [tilespmem:v21+s14+$0x0], $0xffff  }
0x139: {  	v39 =	vor.u32 v6, v31;
	v35 =	vor.u32 v8, v43;
	v18 =	vor.u32 v7, v43;
	v31 =	vld.idx.msk [tilespmem:v62+s14+$0x0], $0xffff  }
0x13a: {  	v41 =	vor.u32 v47, v35;
	v38 =	vor.u32 v47, v18;
	v24 =	vld.idx.msk [tilespmem:v60+s14+$0x0], $0xffff  }
0x13b: {  	v40 =	vor.u32 v50, v18;
	v21 =	vor.u32 v13, v18;
	v28 =	vadd.f32 v28, v9;
	v23 =	vld.idx.msk [tilespmem:v25+s14+$0x0], $0xffff  }
0x13c: {  	v25 =	vadd.f32 v30, v10;
	v30 =	vor.u32 v50, v35;
	v37 =	vadd.f32 v33, v9;
	v32 =	vld.idx.msk [tilespmem:v19+s14+$0x0], $0xffff  }
0x13d: {  	s28 =	simm.s32 $0x1;
	v33 =	vadd.f32 v27, v9;
	v19 =	vld.idx.msk [tilespmem:v63+s14+$0x0], $0xffff;
	v27 =	vor.u32 v20, v35;
	v42 =	vadd.f32 v61, v9  }
.LBB2_11:
0x13e: {  	p0 =	sne.s32 s28, $0xF;
	v36 =	vadd.f32 v36, v10;
	v39 =	vld.idx.msk [tilespmem:v39+s14+$0x0], $0xffff;
	v43 =	vor.u32 v16, v35;
	v44 =	vor.u32 v17, v35;
	s29 =	smov.u32 s28;
	s28 =	sadd.s32 $0x1, s28  }
0x13f: {  	v34 =	vadd.f32 v34, v10;
	v13 =	vor.u32 v13, v35;
	[tilespmem:v38+s21+$0x0] =	vst.idx.msk $0xffff, v42  }
0x140: {  	v38 =	vor.u32 v15, v35;
	[tilespmem:v41+s21+$0x0] =	vst.idx.msk $0xffff, v36;
	v36 =	vor.u32 v14, v18  }
0x141: {  	v20 =	vor.u32 v20, v18;
	v14 =	vor.u32 v14, v35;
	[tilespmem:v40+s21+$0x0] =	vst.idx.msk $0xffff, v37  }
0x142: {  	v29 =	vadd.f32 v29, v10;
	v15 =	vor.u32 v15, v18;
	[tilespmem:v30+s21+$0x0] =	vst.idx.msk $0xffff, v34  }
0x143: {  	v16 =	vor.u32 v16, v18;
	v17 =	vor.u32 v17, v18;
	[tilespmem:v21+s21+$0x0] =	vst.idx.msk $0xffff, v28  }
0x144: {  	v18 =	vadd.f32 v31, v9;
	v21 =	vadd.f32 v26, v10;
	[tilespmem:v13+s21+$0x0] =	vst.idx.msk $0xffff, v25  }
0x145: {  	v13 =	vadd.f32 v32, v10;
	v25 =	vadd.f32 v22, v10;
	[tilespmem:v36+s21+$0x0] =	vst.idx.msk $0xffff, v33  }
0x146: {  	v26 =	vadd.f32 v24, v9;
	v28 =	vadd.f32 v19, v9;
	[tilespmem:v14+s21+$0x0] =	vst.idx.msk $0xffff, v29  }
0x147: {  	v23 =	vadd.f32 v23, v9;
	v14 =	vadd.s32 s29, v0;
	v29 =	vadd.f32 v39, v10;
	[tilespmem:v15+s21+$0x0] =	vst.idx.msk $0xffff, v18  }
0x148: {  	v15 =	vand.u32 $0xF, v14;
	v18 =	vor.u32 $0x10, v14;
	v32 =	vor.u32 $0x30, v14;
	[tilespmem:v38+s21+$0x0] =	vst.idx.msk $0xffff, v13  }
0x149: {  	v13 =	vor.u32 $0x20, v15;
	v22 =	vshll.u32 v15, $0x6;
	v24 =	vshll.u32 v18, $0x6;
	[tilespmem:v16+s21+$0x0] =	vst.idx.msk $0xffff, v26  }
0x14a: {  	v19 =	vand.u32 $0x7, v14;
	v16 =	vor.u32 v0, v22;
	v30 =	vor.u32 v3, v22;
	[tilespmem:v43+s21+$0x0] =	vst.idx.msk $0xffff, v25  }
0x14b: {  	v33 =	vor.u32 $0x40, v15;
	v31 =	vor.u32 v3, v24;
	v26 =	vshll.u32 v13, $0x6;
	[tilespmem:v17+s21+$0x0] =	vst.idx.msk $0xffff, v23  }
0x14c: {  	v34 =	vor.u32 v3, v26;
	v17 =	vor.u32 v0, v26;
	v23 =	vshll.u32 v33, $0x6;
	[tilespmem:v44+s21+$0x0] =	vst.idx.msk $0xffff, v29  }
0x14d: {  	v35 =	vor.u32 $0x60, v15;
	v29 =	vshll.u32 v32, $0x6;
	v15 =	vor.u32 v3, v23;
	[tilespmem:v20+s21+$0x0] =	vst.idx.msk $0xffff, v28  }
0x14e: {  	v25 =	vshll.u32 v35, $0x6;
	v20 =	vor.u32 v0, v29;
	v36 =	vor.u32 v3, v29;
	[tilespmem:v27+s21+$0x0] =	vst.idx.msk $0xffff, v21  }
0x14f: {  	v37 =	vor.u32 $0x50, v14;
	v38 =	vor.u32 v3, v25;
	v21 =	vld.idx.msk [tilespmem:v30+s14+$0x0], $0xffff;
	v30 =	vor.u32 v0, v25  }
0x150: {  	v39 =	vor.u32 $0x70, v14;
	v40 =	vor.u32 v0, v24;
	v28 =	vshll.u32 v37, $0x6;
	v31 =	vld.idx.msk [tilespmem:v31+s14+$0x0], $0xffff  }
0x151: {  	v41 =	vor.u32 v0, v23;
	v42 =	vor.u32 v3, v28;
	v27 =	vshll.u32 v39, $0x6;
	v34 =	vld.idx.msk [tilespmem:v34+s14+$0x0], $0xffff  }
0x152: {  	v43 =	vor.u32 v0, v28;
	v44 =	vor.u32 v0, v27;
	v45 =	vor.u32 v3, v27;
	v15 =	vld.idx.msk [tilespmem:v15+s14+$0x0], $0xffff  }
0x153: {  	v46 =	vor.u32 v1, v19;
	v47 =	vor.u32 v4, v19;
	v16 =	vld.idx.msk [tilespmem:v16+s14+$0x0], $0xffff  }
0x154: {  	v20 =	vld.idx.msk [tilespmem:v20+s14+$0x0], $0xffff  }
0x155: {  	v36 =	vld.idx.msk [tilespmem:v36+s14+$0x0], $0xffff  }
0x156: {  	v48 =	vadd.f32 v21, v12;
	v38 =	vld.idx.msk [tilespmem:v38+s14+$0x0], $0xffff  }
0x157: {  	v49 =	vld.idx.msk [tilespmem:v30+s14+$0x0], $0xffff  }
0x158: {  	v21 =	vld.idx.msk [tilespmem:v40+s14+$0x0], $0xffff;
	v40 =	vadd.f32 v31, v12  }
0x159: {  	v31 =	vand.u32 $0x8, v14;
	v42 =	vld.idx.msk [tilespmem:v42+s14+$0x0], $0xffff  }
0x15a: {  	v34 =	vadd.f32 v34, v12;
	v30 =	vand.u32 $0x18, v18;
	v14 =	vor.u32 v31, v46;
	v41 =	vld.idx.msk [tilespmem:v41+s14+$0x0], $0xffff  }
0x15b: {  	v16 =	vadd.f32 v16, v11;
	v20 =	vadd.f32 v20, v11;
	v50 =	vor.u32 v31, v47;
	v17 =	vld.idx.msk [tilespmem:v17+s14+$0x0], $0xffff  }
0x15c: {  	v51 =	vor.u32 v30, v46;
	v43 =	vld.idx.msk [tilespmem:v43+s14+$0x0], $0xffff  }
0x15d: {  	v13 =	vand.u32 $0x28, v13;
	v18 =	vor.u32 v7, v19;
	v52 =	vor.u32 v30, v47;
	v45 =	vld.idx.msk [tilespmem:v45+s14+$0x0], $0xffff  }
0x15e: {  	v54 =	vor.u32 v13, v46;
	v36 =	vadd.f32 v36, v12;
	v53 =	vadd.f32 v21, v11;
	v44 =	vld.idx.msk [tilespmem:v44+s14+$0x0], $0xffff  }
0x15f: {  	v55 =	vor.u32 v13, v47;
	v21 =	vor.u32 v13, v18;
	[tilespmem:v14+s21+$0x0] =	vst.idx.msk $0xffff, v16;
	v14 =	vand.u32 $0x38, v32  }
0x160: {  	v32 =	vadd.f32 v15, v12;
	[tilespmem:v50+s21+$0x0] =	vst.idx.msk $0xffff, v48;
	v48 =	vor.u32 v14, v46  }
0x161: {  	v15 =	vand.u32 $0x48, v33;
	v16 =	vadd.f32 v17, v11;
	v50 =	vor.u32 v14, v47;
	[tilespmem:v51+s21+$0x0] =	vst.idx.msk $0xffff, v53  }
0x162: {  	v33 =	vadd.f32 v41, v11;
	[tilespmem:v52+s21+$0x0] =	vst.idx.msk $0xffff, v40;
	v40 =	vor.u32 v15, v46  }
0x163: {  	v41 =	vadd.f32 v43, v11;
	v43 =	vor.u32 v15, v47;
	[tilespmem:v54+s21+$0x0] =	vst.idx.msk $0xffff, v16;
	v16 =	vand.u32 $0x58, v37  }
0x164: {  	[tilespmem:v55+s21+$0x0] =	vst.idx.msk $0xffff, v34;
	v34 =	vor.u32 v16, v46  }
0x165: {  	v17 =	vand.u32 $0x68, v35;
	v37 =	vadd.f32 v49, v11;
	[tilespmem:v48+s21+$0x0] =	vst.idx.msk $0xffff, v20;
	v48 =	vor.u32 v16, v47  }
0x166: {  	v35 =	vor.u32 v17, v46;
	[tilespmem:v50+s21+$0x0] =	vst.idx.msk $0xffff, v36  }
0x167: {  	v20 =	vand.u32 $0x78, v39;
	v36 =	vadd.f32 v42, v12;
	[tilespmem:v40+s21+$0x0] =	vst.idx.msk $0xffff, v33;
	v33 =	vor.u32 v17, v47  }
0x168: {  	[tilespmem:v43+s21+$0x0] =	vst.idx.msk $0xffff, v32;
	v32 =	vor.u32 v20, v46  }
0x169: {  	[tilespmem:v34+s21+$0x0] =	vst.idx.msk $0xffff, v41;
	v34 =	vor.u32 v20, v47  }
0x16a: {  	v38 =	vadd.f32 v38, v12;
	[tilespmem:v48+s21+$0x0] =	vst.idx.msk $0xffff, v36;
	v36 =	vor.u32 v6, v27  }
0x16b: {  	v39 =	vadd.f32 v44, v11;
	[tilespmem:v35+s21+$0x0] =	vst.idx.msk $0xffff, v37;
	v35 =	vor.u32 v6, v29  }
0x16c: {  	v37 =	vadd.f32 v45, v12;
	[tilespmem:v33+s21+$0x0] =	vst.idx.msk $0xffff, v38;
	v33 =	vor.u32 v6, v26  }
0x16d: {  	[tilespmem:v32+s21+$0x0] =	vst.idx.msk $0xffff, v39;
	v32 =	vor.u32 v5, v26  }
0x16e: {  	[tilespmem:v34+s21+$0x0] =	vst.idx.msk $0xffff, v37;
	v34 =	vor.u32 v6, v28  }
0x16f: {  	v37 =	vor.u32 v5, v29;
	v26 =	vld.idx.msk [tilespmem:v36+s14+$0x0], $0xffff  }
0x170: {  	v36 =	vor.u32 v5, v24;
	v29 =	vld.idx.msk [tilespmem:v35+s14+$0x0], $0xffff  }
0x171: {  	v24 =	vor.u32 v6, v24;
	v35 =	vor.u32 v5, v22;
	v33 =	vld.idx.msk [tilespmem:v33+s14+$0x0], $0xffff  }
0x172: {  	v32 =	vld.idx.msk [tilespmem:v32+s14+$0x0], $0xffff  }
0x173: {  	v38 =	vor.u32 v6, v22;
	v22 =	vld.idx.msk [tilespmem:v34+s14+$0x0], $0xffff  }
0x174: {  	v40 =	vld.idx.msk [tilespmem:v37+s14+$0x0], $0xffff;
	v37 =	vor.u32 v5, v25  }
0x175: {  	v42 =	vor.u32 v5, v28;
	v41 =	vld.idx.msk [tilespmem:v36+s14+$0x0], $0xffff  }
0x176: {  	v43 =	vor.u32 v6, v23;
	v34 =	vld.idx.msk [tilespmem:v24+s14+$0x0], $0xffff  }
0x177: {  	v45 =	vor.u32 v5, v23;
	v44 =	vld.idx.msk [tilespmem:v35+s14+$0x0], $0xffff  }
0x178: {  	v27 =	vor.u32 v5, v27;
	v36 =	vld.idx.msk [tilespmem:v38+s14+$0x0], $0xffff  }
.Ltmp5:
0x179: {  	v39 =	vor.u32 v6, v25;
	v28 =	vadd.f32 v32, v9;
	v23 =	vld.idx.msk [tilespmem:v37+s14+$0x0], $0xffff;
	(pc) =	sbr.rel @p0 .LBB2_11-.Ltmp5, $4  }
0x17a: {  	v25 =	vadd.f32 v33, v10;
	v35 =	vor.u32 v8, v19;
	v38 =	vor.u32 v31, v18;
	v24 =	vld.idx.msk [tilespmem:v42+s14+$0x0], $0xffff  }
0x17b: {  	v33 =	vadd.f32 v40, v9;
	v37 =	vadd.f32 v41, v9;
	v41 =	vor.u32 v31, v35;
	v32 =	vld.idx.msk [tilespmem:v43+s14+$0x0], $0xffff  }
0x17c: {  	v40 =	vor.u32 v30, v18;
	v31 =	vld.idx.msk [tilespmem:v45+s14+$0x0], $0xffff  }
0x17d: {  	v30 =	vor.u32 v30, v35;
	v42 =	vadd.f32 v44, v9;
	v19 =	vld.idx.msk [tilespmem:v27+s14+$0x0], $0xffff;
	v27 =	vor.u32 v20, v35  }
0x17e: {  	_ =	sdelay $0x2  }
0x17f: {  	v11 =	vadd.f32 v36, v10  }
0x180: {  	v12 =	vld.idx.msk [tilespmem:v39+s14+$0x0], $0xffff;
	v13 =	vor.u32 v13, v35;
	[tilespmem:v38+s21+$0x0] =	vst.idx.msk $0xffff, v42  }
0x181: {  	v34 =	vadd.f32 v34, v10;
	[tilespmem:v41+s21+$0x0] =	vst.idx.msk $0xffff, v11;
	v11 =	vor.u32 v14, v18  }
0x182: {  	v51 =	vor.u32 v14, v35;
	[tilespmem:v40+s21+$0x0] =	vst.idx.msk $0xffff, v37  }
0x183: {  	v52 =	vor.u32 v15, v18;
	[tilespmem:v30+s21+$0x0] =	vst.idx.msk $0xffff, v34  }
0x184: {  	v53 =	vor.u32 v15, v35;
	[tilespmem:v21+s21+$0x0] =	vst.idx.msk $0xffff, v28  }
0x185: {  	v54 =	vadd.f32 v29, v10;
	v55 =	vor.u32 v16, v18;
	[tilespmem:v13+s21+$0x0] =	vst.idx.msk $0xffff, v25  }
0x186: {  	v56 =	vor.u32 v16, v35;
	v57 =	vadd.f32 v31, v9;
	[tilespmem:v11+s21+$0x0] =	vst.idx.msk $0xffff, v33  }
0x187: {  	v58 =	vadd.f32 v32, v10;
	v11 =	vor.u32 v17, v18;
	[tilespmem:v51+s21+$0x0] =	vst.idx.msk $0xffff, v54  }
0x188: {  	v59 =	vor.u32 v17, v35;
	v60 =	vadd.f32 v24, v9;
	[tilespmem:v52+s21+$0x0] =	vst.idx.msk $0xffff, v57  }
0x189: {  	v61 =	vor.u32 v20, v18;
	v62 =	vadd.f32 v22, v10;
	[tilespmem:v53+s21+$0x0] =	vst.idx.msk $0xffff, v58  }
0x18a: {  	v63 =	vadd.f32 v23, v9;
	s25 =	sadd.s32 $0x1, s25;
	[tilespmem:v55+s21+$0x0] =	vst.idx.msk $0xffff, v60  }
0x18b: {  	p0 =	sne.s32 s25, $0x64;
	v12 =	vadd.f32 v12, v10;
	[tilespmem:v56+s21+$0x0] =	vst.idx.msk $0xffff, v62  }
.Ltmp6:
0x18c: {  	s26 =	sshll.u32 s26, $0x12;
	v9 =	vadd.f32 v19, v9;
	[tilespmem:v11+s21+$0x0] =	vst.idx.msk $0xffff, v63;
	(pc) =	sbr.rel @p0 .LBB2_4-.Ltmp6, $4  }
0x18d: {  	s26 =	sor.u32 s7, s26;
	v10 =	vadd.f32 v26, v10;
	[tilespmem:v59+s21+$0x0] =	vst.idx.msk $0xffff, v12  }
0x18e: {  	s26 =	sshrl.u32 s26, $0x3;
	[tilespmem:v61+s21+$0x0] =	vst.idx.msk $0xffff, v9  }
0x18f: {  	s26 =	sadd.s32 s2, s26;
	[tilespmem:v27+s21+$0x0] =	vst.idx.msk $0xffff, v10  }
0x190: {  	[hbm4b:s26+s17] =	stream.strided.scatter [tilespmem:s21], [sflag:$0x4], $0x2000, s18, s17, $0x38;
	[tilespmem:$0x11600] =	vst v63  }
0x191: {  	s23 =	sadd.s32 $0x1, s23  }
0x192: {  	_ =	swait.ge [sflag:s22], $0x2000;
	p0 =	sne.s32 s23, s8  }
.Ltmp7:
0x193: {  	[sflag:s22] =	ssyncset.done $0x0;
	(pc) =	sbr.rel @p0 .LBB2_1-.Ltmp7, $4  }
0x194: {  	[sflag:s22] =	ssyncadd.s32 $0xFFFFE000  }
0x195: {  	_ =	swait.ge [sflag:s20], $0x2000  }
0x196: {  	[sflag:s20] =	ssyncset.done $0x0  }
0x197: {  	[sflag:s20] =	ssyncadd.s32 $0xFFFFE000  }
0x198: {  	_ =	sfence.sel $0x180000  }
0x199: {  	[bflag:$0x0] =	sbarrier.arrive $0xFFFF  }
0x19a: {  	p0 =	sne.s32 s0, $0x0;
	_ =	strace $0x90000047  }
0x19b: {  	s0 =	sadd.s32 @!p0 $0x100000, s1;
	[bflag:$0x2] =	sbarrier.arrive $0xFFFF  }
0x19c: {  	[sflag:s0] =	ssyncadd.tile.s32 @!p0 $0x1;
	_ =	shalt  }
.Lfunc_end2:
_tile_overlayer_lowered:
.L_overlay_start_2:
0x19d: {  	(tag) =	ssettag $0x2  }
0x19e: {  	s0 =	rddreg [dreg:$0x0];
	s2 =	stileid.u32  }
0x19f: {  	s1 =	rddreg [dreg:$0x1];
	p0 =	sne.s32 s2, $0x0  }
0x1a0: {  	s3 =	rddreg [dreg:$0x2];
	[bflag:$0x3] =	sbarrier.arrive $0xFFFF;
	s2 =	simm.s32 @!p0 $0x1C05  }
0x1a1: {  	[timem:s3], [sflag:s2] =	dma.local @!p0 [hbm:s0], s1  }
0x1a2: {  	s0 =	simm.s32 @!p0 $0x5  }
0x1a3: {  	_ =	swait.ge @!p0 [sflag:s0], s1  }
0x1a4: {  	s1 =	ssub.s32 @!p0 $0x0, s1;
	[sflag:s0] =	ssyncset.done @!p0 $0x0  }
0x1a5: {  	[sflag:s0] =	ssyncadd.s32 @!p0 s1  }
0x1a6: {  	[bflag:$0x3] =	sbarrier.arrive $0xFFFF  }
0x1a7: {  	_ =	shalt  }

</sc_bundles>
